<compile_context>
chip_gen: v7x
topology: tpu7x:2x2x1
jax: 0.10.2.dev20260603
libtpu: 0.0.44.dev20260713+nightly
codegen_flags: <defaults>
</compile_context>

<pallas_src>
import jax
import jax.numpy as jnp
from jax import lax
from jax.experimental import pallas as pl
from jax.experimental.pallas import tpu as pltpu
from jax.experimental.pallas import tpu_sc as plsc

N = 16384
M = 4096
K = 32
NPH = 20
SIGMA = 30.0
RADIUS2 = (SIGMA * 3.0) ** 2
INV2SIG2 = 1.0 / (2.0 * SIGMA * SIGMA)

NTILES = 32
QPT = N // NTILES
MV = M // 16
CAP = 1024

_BIG = 3.0e38


def _rtne_bf16(x):
  u = plsc.bitcast(x, jnp.int32)
  r = (u + 0x7FFF + ((u >> 16) & 1)) & jnp.int32(-65536)
  return plsc.bitcast(r, jnp.float32)


def _body(pts_ref, c_ref, disp_ref, ph_ref, out_ref,
          qbuf, cbuf, cxe, cye, cze, c2b,
          dtmp, dxb, dyb, dzb, d2buf, cd2, cix, phv, obuf):
  cid = lax.axis_index("c")
  sid = lax.axis_index("s")
  wid = sid * 2 + cid
  base = wid * QPT

  for a in range(3):
    pltpu.sync_copy(pts_ref.at[pl.ds(a * N + base, QPT)],
                    qbuf.at[pl.ds(a * QPT, QPT)])
  for a, cdst in enumerate((cxe, cye, cze)):
    pltpu.sync_copy(c_ref.at[pl.ds(a * M, M)], cdst)
  pltpu.sync_copy(ph_ref, phv)

  def cprep(i, _):
    sl = pl.ds(i * 16, 16)
    cx = cxe[sl]
    cy = cye[sl]
    cz = cze[sl]
    cbuf[0, sl] = _rtne_bf16(cx)
    cbuf[1, sl] = _rtne_bf16(cy)
    cbuf[2, sl] = _rtne_bf16(cz)
    c2b[sl] = (cx * cx + cy * cy) + cz * cz
    return 0
  lax.fori_loop(0, MV, cprep, 0)

  p = phv[...][0]
  s = p * jnp.float32(NPH)
  ir = s.astype(jnp.int32)
  i0 = ir - (ir.astype(jnp.float32) > s).astype(jnp.int32)
  frac = s - i0.astype(jnp.float32)
  i1 = jnp.where(frac > 0, lax.rem(i0 + 1, NPH), i0)

  dsts = (dxb, dyb, dzb)
  for a in range(3):
    pltpu.sync_copy(disp_ref.at[pl.ds((3 * i0 + a) * M, M)], dtmp)
    pltpu.sync_copy(disp_ref.at[pl.ds((3 * i1 + a) * M, M)], dsts[a])

    def blend(i, _, a=a):
      sl = pl.ds(i * 16, 16)
      dsts[a][sl] = (1.0 - frac) * dtmp[sl] + frac * dsts[a][sl]
      return 0
    lax.fori_loop(0, MV, blend, 0)

  lane = lax.iota(jnp.int32, 16)

  def qgroup(qg, _):
    def qstep(q2, mcarry):
      mxv, myv, mzv = mcarry
      q = qg * 16 + q2
      is_q = lane == q2
      qi = jnp.broadcast_to(q, (16,)).astype(jnp.int32)
      qx = plsc.load_gather(qbuf, [qi])
      qy = plsc.load_gather(qbuf, [qi + QPT])
      qz = plsc.load_gather(qbuf, [qi + 2 * QPT])
      qbx = _rtne_bf16(qx)
      qby = _rtne_bf16(qy)
      qbz = _rtne_bf16(qz)
      p2v = (qx * qx + qy * qy) + qz * qz

      big16 = jnp.full((16,), _BIG, jnp.float32)
      zf16 = jnp.zeros((16,), jnp.float32)

      def p1(i, carry):
        outs = []
        for k in range(4):
          m1, m2 = carry[2 * k], carry[2 * k + 1]
          sl = pl.ds((4 * i + k) * 16, 16)
          dot = (qbx * cbuf[0, sl] + qby * cbuf[1, sl]) + qbz * cbuf[2, sl]
          d2 = jnp.maximum((p2v + c2b[sl]) - 2.0 * dot, zf16)
          d2buf[sl] = d2
          outs.append(jnp.minimum(m1, d2))
          outs.append(jnp.minimum(m2, jnp.maximum(m1, d2)))
        return tuple(outs)

      mm = lax.fori_loop(0, MV // 4, p1, (big16, big16) * 4)
      m1, m2 = mm[0], mm[1]
      for k in range(1, 4):
        a1, a2 = mm[2 * k], mm[2 * k + 1]
        m2 = jnp.minimum(jnp.maximum(m1, a1), jnp.minimum(m2, a2))
        m1 = jnp.minimum(m1, a1)
      dmin = jnp.min(m1)
      bound = jnp.max(m2)

      def cstep(i, pos):
        pss = []
        msks = []
        d2s = []
        for k in range(4):
          sl = pl.ds((4 * i + k) * 16, 16)
          d2 = d2buf[sl]
          msk = d2 <= bound
          d2s.append(d2)
          msks.append(msk)
          pss.append(plsc.cumsum(msk.astype(jnp.int32)))
        for k in range(4):
          dst = pos + pss[k] - 1
          okm = msks[k] & (dst < CAP)
          dst = jnp.clip(dst, 0, CAP - 1)
          plsc.store_scatter(cd2, [dst], d2s[k], mask=okm)
          plsc.store_scatter(cix, [dst], lane + (4 * i + k) * 16, mask=okm)
          pos = pos + pss[k][15]
        return pos

      nc = lax.fori_loop(0, MV // 4, cstep, jnp.int32(0))
      nc = jnp.minimum(nc, jnp.int32(CAP))
      nv = (nc + 15) >> 4

      def tstep(v, carry):
        m1, m2 = carry
        d2 = cd2[pl.ds(v * 16, 16)]
        d2 = jnp.where(lane + v * 16 < nc, d2, big16)
        m2 = jnp.minimum(m2, jnp.maximum(m1, d2))
        m1 = jnp.minimum(m1, d2)
        return (m1, m2)

      _, tm2 = lax.fori_loop(0, nv, tstep, (big16, big16))
      bound2 = jnp.max(tm2)

      def rstep(v, pos):
        sl = pl.ds(v * 16, 16)
        d2 = cd2[sl]
        ix = cix[sl]
        msk = (d2 <= bound2) & (lane + v * 16 < nc)
        ps = plsc.cumsum(msk.astype(jnp.int32))
        dst = jnp.clip(pos + ps - 1, 0, CAP - 1)
        plsc.store_scatter(cd2, [dst], d2, mask=msk)
        plsc.store_scatter(cix, [dst], ix, mask=msk)
        return pos + ps[15]

      nc2 = lax.fori_loop(0, nv, rstep, jnp.int32(0))
      nv2 = (nc2 + 15) >> 4

      cregs = []
      for v in range(8):
        cr = cd2[pl.ds(v * 16, 16)]
        cregs.append(jnp.where(lane + v * 16 < nc2, cr, big16))

      lo = lax.bitcast_convert_type(dmin, jnp.int32)
      hi = lax.bitcast_convert_type(bound2, jnp.int32)

      def bstep(_, carry):
        blo, bhi = carry
        mid = blo + ((bhi - blo) >> 1)
        midf = lax.bitcast_convert_type(mid, jnp.float32)
        cnt = jnp.int32(0)
        for v in range(8):
          pc = plsc.all_reduce_population_count(cregs[v] <= midf)
          cnt = cnt + pc[0]
        take = cnt >= K
        done = blo >= bhi
        nlo = jnp.where(done | take, blo, mid + 1)
        nhi = jnp.where(done | jnp.logical_not(take), bhi, mid)
        return (nlo, nhi)

      t32bits, _ = lax.fori_loop(0, 31, bstep, (lo, hi))
      t32 = lax.bitcast_convert_type(t32bits, jnp.float32)

      zero16 = jnp.zeros((16,), jnp.float32)
      z16 = jnp.zeros((16,), jnp.int32)

      def astep(v, carry):
        sw, sx, sy, sz = carry
        sl = pl.ds(v * 16, 16)
        d2 = cd2[sl]
        ix = cix[sl]
        sel = (d2 <= t32) & (lane + v * 16 < nc2)
        ix = jnp.where(sel, ix, z16)
        ex = plsc.load_gather(cxe, [ix]) - qx
        ey = plsc.load_gather(cye, [ix]) - qy
        ez = plsc.load_gather(cze, [ix]) - qz
        r2 = (ex * ex + ey * ey) + ez * ez
        sel = sel & (r2 <= RADIUS2)
        w = jnp.where(sel, jnp.exp(r2 * jnp.float32(-INV2SIG2)), zero16)
        dx = plsc.load_gather(dxb, [ix])
        dy = plsc.load_gather(dyb, [ix])
        dz = plsc.load_gather(dzb, [ix])
        return (sw + w, sx + w * dx, sy + w * dy, sz + w * dz)

      sw, sx, sy, sz = lax.fori_loop(0, nv2, astep,
                                     (zero16, zero16, zero16, zero16))
      denom = jnp.broadcast_to(jnp.sum(sw) + jnp.float32(1e-8), (16,))
      invv = jnp.ones((16,), jnp.float32) / denom
      mxv = jnp.where(is_q, jnp.sum(sx) * invv, mxv)
      myv = jnp.where(is_q, jnp.sum(sy) * invv, myv)
      mzv = jnp.where(is_q, jnp.sum(sz) * invv, mzv)
      return (mxv, myv, mzv)

    zero16 = jnp.zeros((16,), jnp.float32)
    mxv, myv, mzv = lax.fori_loop(0, 16, qstep, (zero16, zero16, zero16))
    obuf[pl.ds(qg * 16, 16)] = mxv
    obuf[pl.ds(QPT + qg * 16, 16)] = myv
    obuf[pl.ds(2 * QPT + qg * 16, 16)] = mzv
    return 0

  lax.fori_loop(0, QPT // 16, qgroup, 0)
  for a in range(3):
    pltpu.sync_copy(obuf.at[pl.ds(a * QPT, QPT)],
                    out_ref.at[pl.ds(a * N + base, QPT)])


@jax.jit
def _run(ptsF, cT, dispF, ph16):
  mesh = plsc.VectorSubcoreMesh(core_axis_name="c", subcore_axis_name="s")
  f = pl.kernel(
      _body,
      mesh=mesh,
      compiler_params=pltpu.CompilerParams(needs_layout_passes=False),
      out_type=jax.ShapeDtypeStruct((3 * N,), jnp.float32),
      scratch_types=[
          pltpu.VMEM((3 * QPT,), jnp.float32),
          pltpu.VMEM((3, M), jnp.float32),
          pltpu.VMEM((M,), jnp.float32),
          pltpu.VMEM((M,), jnp.float32),
          pltpu.VMEM((M,), jnp.float32),
          pltpu.VMEM((M,), jnp.float32),
          pltpu.VMEM((M,), jnp.float32),
          pltpu.VMEM((M,), jnp.float32),
          pltpu.VMEM((M,), jnp.float32),
          pltpu.VMEM((M,), jnp.float32),
          pltpu.VMEM((M,), jnp.float32),
          pltpu.VMEM((CAP,), jnp.float32),
          pltpu.VMEM((CAP,), jnp.int32),
          pltpu.VMEM((16,), jnp.float32),
          pltpu.VMEM((3 * QPT,), jnp.float32),
      ],
  )
  return f(ptsF, cT, dispF, ph16)


def kernel(points, ctrl_pts, ctrl_disps, phase):
  ptsF = points.T.reshape(-1)
  cT = ctrl_pts.T.reshape(-1)
  dispF = ctrl_disps.transpose(0, 2, 1).reshape(-1)
  ph16 = jnp.broadcast_to(phase, (16,))
  out = _run(ptsF, cT, dispF, ph16)
  return out.reshape(3, N).T

# --- scband reference (transcript-rebuilt; emitter-appended) ---
"""Pipeline reference for scband-kdtree-rbf-83854941487624 (READ-ONLY COPY).

The authoritative reference and input builder live on the scoring server;
editing this copy changes nothing except your own understanding.
"""

import jax, jax.numpy as jnp
import numpy as np

SIGMA = 30.0
RADIUS_FACTOR = 3.0
K = 32
N_PHASES = 20


def setup_inputs(seed: int = 0) -> dict:
    key = jax.random.key(seed)
    k1, k2, k3, k4 = jax.random.split(key, 4)
    N, M = 16384, 4096
    points = jax.random.normal(k1, (N, 3), dtype=jnp.float32) * 50.0
    ctrl_pts = jax.random.normal(k2, (M, 3), dtype=jnp.float32) * 50.0
    ctrl_disps = jax.random.normal(k3, (N_PHASES, M, 3), dtype=jnp.float32) * 5.0
    phase = jax.random.uniform(k4, (1,), dtype=jnp.float32)
    return {"points": points, "ctrl_pts": ctrl_pts, "ctrl_disps": ctrl_disps, "phase": phase}


def reference(points, ctrl_pts, ctrl_disps, phase):
    n_phases = ctrl_disps.shape[0]
    # CardiacPhase interpolation: blend displacements of floor/ceil phase indices
    scaled = phase[0] * n_phases
    idx0 = (jnp.floor(scaled).astype(jnp.int32)) % n_phases
    idx1 = (jnp.ceil(scaled).astype(jnp.int32)) % n_phases
    w_ph = scaled - jnp.floor(scaled)
    disp = w_ph * jnp.take(ctrl_disps, idx1, axis=0) + (1.0 - w_ph) * jnp.take(ctrl_disps, idx0, axis=0)

    # brute-force kNN (replaces scipy KDTree.query with k=K, distance_upper_bound=radius)
    p2 = jnp.sum(points * points, axis=1, keepdims=True)            # [N,1]
    c2 = jnp.sum(ctrl_pts * ctrl_pts, axis=1)[None, :]               # [1,M]
    d2_full = p2 + c2 - 2.0 * (points @ ctrl_pts.T)                  # [N,M]
    _, idx = jax.lax.top_k(-d2_full, K)                              # [N,K] nearest indices

    cp = jnp.take(ctrl_pts, idx, axis=0)                             # [N,K,3]
    cd = jnp.take(disp, idx, axis=0)                                 # [N,K,3]

    diff = points[:, None, :] - cp                                   # [N,K,3]
    r2 = jnp.sum(diff * diff, axis=-1)                               # [N,K]
    radius2 = (SIGMA * RADIUS_FACTOR) ** 2
    mask = (r2 <= radius2).astype(points.dtype)                      # distance_upper_bound mask
    w = jnp.exp(-r2 / (2.0 * SIGMA ** 2)) * mask
    w = w / (jnp.sum(w, axis=1, keepdims=True) + 1e-8)
    motion = jnp.sum(w[..., None] * cd, axis=1)                      # [N,3]
    return motion.astype(jnp.float32)

if __name__ == "__main__":
    import jax
    _d = setup_inputs()
    print(jax.jit(kernel)(*tuple(_d.values())))

</pallas_src>

<mosaic_0001>
#map = affine_map<(d0, d1) -> (0)>
module attributes {stable_mosaic.version = 14 : i64} {
  func.func @_body(%arg0: i32, %arg1: i32, %arg2: memref<49152xf32, #tpu.memory_space<hbm>>, %arg3: memref<12288xf32, #tpu.memory_space<hbm>>, %arg4: memref<245760xf32, #tpu.memory_space<hbm>>, %arg5: memref<16xf32, #tpu.memory_space<hbm>>, %arg6: memref<49152xf32, #tpu.memory_space<hbm>>, %arg7: memref<1536xf32, #tpu.memory_space<vmem>>, %arg8: memref<3x4096xf32, #tpu.memory_space<vmem>>, %arg9: memref<4096xf32, #tpu.memory_space<vmem>>, %arg10: memref<4096xf32, #tpu.memory_space<vmem>>, %arg11: memref<4096xf32, #tpu.memory_space<vmem>>, %arg12: memref<4096xf32, #tpu.memory_space<vmem>>, %arg13: memref<4096xf32, #tpu.memory_space<vmem>>, %arg14: memref<4096xf32, #tpu.memory_space<vmem>>, %arg15: memref<4096xf32, #tpu.memory_space<vmem>>, %arg16: memref<4096xf32, #tpu.memory_space<vmem>>, %arg17: memref<4096xf32, #tpu.memory_space<vmem>>, %arg18: memref<1024xf32, #tpu.memory_space<vmem>>, %arg19: memref<1024xi32, #tpu.memory_space<vmem>>, %arg20: memref<16xf32, #tpu.memory_space<vmem>>, %arg21: memref<1536xf32, #tpu.memory_space<vmem>>) attributes {dimension_semantics = [#tpu.dimension_semantics<core_parallel>, #tpu.dimension_semantics<subcore_parallel>], iteration_bounds = array<i64: 2, 16>, scalar_prefetch = 0 : i64, scratch_operands = 15 : i64, tpu.core_type = #tpu.core_type<sc_vector_subcore>, window_params = [{transform_indices = #map}, {transform_indices = #map}, {transform_indices = #map}, {transform_indices = #map}, {transform_indices = #map}]} {
    %mul3A = arith.constant 2 : i32
    %mul3A_0 = arith.muli %arg1, %mul3A : i32
    %add3A = arith.addi %mul3A_0, %arg0 : i32
    %mul3A_1 = arith.constant 512 : i32
    %mul3A_2 = arith.muli %add3A, %mul3A_1 : i32
    %add3A_3 = arith.constant 0 : i32
    %add3A_4 = arith.addi %add3A_3, %mul3A_2 : i32
    "tpu.region"() ({
      %run_scoped3A = tpu.sem_alloc : memref<!tpu.dma_semaphore, #tpu.memory_space<semaphore_mem>>
      %dma_start3A = arith.constant 0 : i32
      %dma_start3A_97 = tpu.memref_slice %arg7[%dma_start3A] : memref<1536xf32, #tpu.memory_space<vmem>> -> memref<512xf32, #tpu.memory_space<vmem>>
      %dma_start3A_98 = tpu.memref_slice %arg2[%add3A_4] : memref<49152xf32, #tpu.memory_space<hbm>> -> memref<512xf32, #tpu.memory_space<hbm>>
      %dma_start3A_99 = arith.constant 0 : i32
      %dma_start3A_100 = tpu.memref_slice %arg7[%dma_start3A_99] : memref<1536xf32, #tpu.memory_space<vmem>> -> memref<512xf32, #tpu.memory_space<vmem>>
      %dma_start3A_101 = tpu.memref_slice %arg2[%add3A_4] : memref<49152xf32, #tpu.memory_space<hbm>> -> memref<512xf32, #tpu.memory_space<hbm>>
      tpu.enqueue_dma source(%dma_start3A_101 : memref<512xf32, #tpu.memory_space<hbm>>) target(%dma_start3A_100 : memref<512xf32, #tpu.memory_space<vmem>>) target_semaphore(%run_scoped3A : memref<!tpu.dma_semaphore, #tpu.memory_space<semaphore_mem>>)
      %dma_wait3A = arith.constant 0 : i32
      %dma_wait3A_102 = tpu.memref_slice %arg7[%dma_wait3A] : memref<1536xf32, #tpu.memory_space<vmem>> -> memref<512xf32, #tpu.memory_space<vmem>>
      %dma_wait3A_103 = tpu.memref_slice %arg2[%add3A_4] : memref<49152xf32, #tpu.memory_space<hbm>> -> memref<512xf32, #tpu.memory_space<hbm>>
      %dma_wait3A_104 = arith.constant 0 : i32
      %dma_wait3A_105 = tpu.memref_slice %arg7[%dma_wait3A_104] : memref<1536xf32, #tpu.memory_space<vmem>> -> memref<512xf32, #tpu.memory_space<vmem>>
      %dma_wait3A_106 = tpu.memref_slice %arg2[%add3A_4] : memref<49152xf32, #tpu.memory_space<hbm>> -> memref<512xf32, #tpu.memory_space<hbm>>
      tpu.wait_dma2 semaphore(%run_scoped3A : memref<!tpu.dma_semaphore, #tpu.memory_space<semaphore_mem>>) src(%dma_wait3A_106 : memref<512xf32, #tpu.memory_space<hbm>>) dst(%dma_wait3A_105 : memref<512xf32, #tpu.memory_space<vmem>>)
      tpu.yield
    }) : () -> ()
    %add3A_5 = arith.constant 16384 : i32
    %add3A_6 = arith.addi %add3A_5, %mul3A_2 : i32
    "tpu.region"() ({
      %run_scoped3A = tpu.sem_alloc : memref<!tpu.dma_semaphore, #tpu.memory_space<semaphore_mem>>
      %dma_start3A = arith.constant 512 : i32
      %dma_start3A_97 = tpu.memref_slice %arg7[%dma_start3A] : memref<1536xf32, #tpu.memory_space<vmem>> -> memref<512xf32, #tpu.memory_space<vmem>>
      %dma_start3A_98 = tpu.memref_slice %arg2[%add3A_6] : memref<49152xf32, #tpu.memory_space<hbm>> -> memref<512xf32, #tpu.memory_space<hbm>>
      %dma_start3A_99 = arith.constant 512 : i32
      %dma_start3A_100 = tpu.memref_slice %arg7[%dma_start3A_99] : memref<1536xf32, #tpu.memory_space<vmem>> -> memref<512xf32, #tpu.memory_space<vmem>>
      %dma_start3A_101 = tpu.memref_slice %arg2[%add3A_6] : memref<49152xf32, #tpu.memory_space<hbm>> -> memref<512xf32, #tpu.memory_space<hbm>>
      tpu.enqueue_dma source(%dma_start3A_101 : memref<512xf32, #tpu.memory_space<hbm>>) target(%dma_start3A_100 : memref<512xf32, #tpu.memory_space<vmem>>) target_semaphore(%run_scoped3A : memref<!tpu.dma_semaphore, #tpu.memory_space<semaphore_mem>>)
      %dma_wait3A = arith.constant 512 : i32
      %dma_wait3A_102 = tpu.memref_slice %arg7[%dma_wait3A] : memref<1536xf32, #tpu.memory_space<vmem>> -> memref<512xf32, #tpu.memory_space<vmem>>
      %dma_wait3A_103 = tpu.memref_slice %arg2[%add3A_6] : memref<49152xf32, #tpu.memory_space<hbm>> -> memref<512xf32, #tpu.memory_space<hbm>>
      %dma_wait3A_104 = arith.constant 512 : i32
      %dma_wait3A_105 = tpu.memref_slice %arg7[%dma_wait3A_104] : memref<1536xf32, #tpu.memory_space<vmem>> -> memref<512xf32, #tpu.memory_space<vmem>>
      %dma_wait3A_106 = tpu.memref_slice %arg2[%add3A_6] : memref<49152xf32, #tpu.memory_space<hbm>> -> memref<512xf32, #tpu.memory_space<hbm>>
      tpu.wait_dma2 semaphore(%run_scoped3A : memref<!tpu.dma_semaphore, #tpu.memory_space<semaphore_mem>>) src(%dma_wait3A_106 : memref<512xf32, #tpu.memory_space<hbm>>) dst(%dma_wait3A_105 : memref<512xf32, #tpu.memory_space<vmem>>)
      tpu.yield
    }) : () -> ()
    %add3A_7 = arith.constant 32768 : i32
    %add3A_8 = arith.addi %add3A_7, %mul3A_2 : i32
    "tpu.region"() ({
      %run_scoped3A = tpu.sem_alloc : memref<!tpu.dma_semaphore, #tpu.memory_space<semaphore_mem>>
      %dma_start3A = arith.constant 1024 : i32
      %dma_start3A_97 = tpu.memref_slice %arg7[%dma_start3A] : memref<1536xf32, #tpu.memory_space<vmem>> -> memref<512xf32, #tpu.memory_space<vmem>>
      %dma_start3A_98 = tpu.memref_slice %arg2[%add3A_8] : memref<49152xf32, #tpu.memory_space<hbm>> -> memref<512xf32, #tpu.memory_space<hbm>>
      %dma_start3A_99 = arith.constant 1024 : i32
      %dma_start3A_100 = tpu.memref_slice %arg7[%dma_start3A_99] : memref<1536xf32, #tpu.memory_space<vmem>> -> memref<512xf32, #tpu.memory_space<vmem>>
      %dma_start3A_101 = tpu.memref_slice %arg2[%add3A_8] : memref<49152xf32, #tpu.memory_space<hbm>> -> memref<512xf32, #tpu.memory_space<hbm>>
      tpu.enqueue_dma source(%dma_start3A_101 : memref<512xf32, #tpu.memory_space<hbm>>) target(%dma_start3A_100 : memref<512xf32, #tpu.memory_space<vmem>>) target_semaphore(%run_scoped3A : memref<!tpu.dma_semaphore, #tpu.memory_space<semaphore_mem>>)
      %dma_wait3A = arith.constant 1024 : i32
      %dma_wait3A_102 = tpu.memref_slice %arg7[%dma_wait3A] : memref<1536xf32, #tpu.memory_space<vmem>> -> memref<512xf32, #tpu.memory_space<vmem>>
      %dma_wait3A_103 = tpu.memref_slice %arg2[%add3A_8] : memref<49152xf32, #tpu.memory_space<hbm>> -> memref<512xf32, #tpu.memory_space<hbm>>
      %dma_wait3A_104 = arith.constant 1024 : i32
      %dma_wait3A_105 = tpu.memref_slice %arg7[%dma_wait3A_104] : memref<1536xf32, #tpu.memory_space<vmem>> -> memref<512xf32, #tpu.memory_space<vmem>>
      %dma_wait3A_106 = tpu.memref_slice %arg2[%add3A_8] : memref<49152xf32, #tpu.memory_space<hbm>> -> memref<512xf32, #tpu.memory_space<hbm>>
      tpu.wait_dma2 semaphore(%run_scoped3A : memref<!tpu.dma_semaphore, #tpu.memory_space<semaphore_mem>>) src(%dma_wait3A_106 : memref<512xf32, #tpu.memory_space<hbm>>) dst(%dma_wait3A_105 : memref<512xf32, #tpu.memory_space<vmem>>)
      tpu.yield
    }) : () -> ()
    "tpu.region"() ({
      %run_scoped3A = tpu.sem_alloc : memref<!tpu.dma_semaphore, #tpu.memory_space<semaphore_mem>>
      %dma_start3A = arith.constant 0 : i32
      %dma_start3A_97 = tpu.memref_slice %arg3[%dma_start3A] : memref<12288xf32, #tpu.memory_space<hbm>> -> memref<4096xf32, #tpu.memory_space<hbm>>
      %dma_start3A_98 = arith.constant 0 : i32
      %dma_start3A_99 = tpu.memref_slice %arg3[%dma_start3A_98] : memref<12288xf32, #tpu.memory_space<hbm>> -> memref<4096xf32, #tpu.memory_space<hbm>>
      tpu.enqueue_dma source(%dma_start3A_99 : memref<4096xf32, #tpu.memory_space<hbm>>) target(%arg9 : memref<4096xf32, #tpu.memory_space<vmem>>) target_semaphore(%run_scoped3A : memref<!tpu.dma_semaphore, #tpu.memory_space<semaphore_mem>>)
      %dma_wait3A = arith.constant 0 : i32
      %dma_wait3A_100 = tpu.memref_slice %arg3[%dma_wait3A] : memref<12288xf32, #tpu.memory_space<hbm>> -> memref<4096xf32, #tpu.memory_space<hbm>>
      %dma_wait3A_101 = arith.constant 0 : i32
      %dma_wait3A_102 = tpu.memref_slice %arg3[%dma_wait3A_101] : memref<12288xf32, #tpu.memory_space<hbm>> -> memref<4096xf32, #tpu.memory_space<hbm>>
      tpu.wait_dma2 semaphore(%run_scoped3A : memref<!tpu.dma_semaphore, #tpu.memory_space<semaphore_mem>>) src(%dma_wait3A_102 : memref<4096xf32, #tpu.memory_space<hbm>>) dst(%arg9 : memref<4096xf32, #tpu.memory_space<vmem>>)
      tpu.yield
    }) : () -> ()
    "tpu.region"() ({
      %run_scoped3A = tpu.sem_alloc : memref<!tpu.dma_semaphore, #tpu.memory_space<semaphore_mem>>
      %dma_start3A = arith.constant 4096 : i32
      %dma_start3A_97 = tpu.memref_slice %arg3[%dma_start3A] : memref<12288xf32, #tpu.memory_space<hbm>> -> memref<4096xf32, #tpu.memory_space<hbm>>
      %dma_start3A_98 = arith.constant 4096 : i32
      %dma_start3A_99 = tpu.memref_slice %arg3[%dma_start3A_98] : memref<12288xf32, #tpu.memory_space<hbm>> -> memref<4096xf32, #tpu.memory_space<hbm>>
      tpu.enqueue_dma source(%dma_start3A_99 : memref<4096xf32, #tpu.memory_space<hbm>>) target(%arg10 : memref<4096xf32, #tpu.memory_space<vmem>>) target_semaphore(%run_scoped3A : memref<!tpu.dma_semaphore, #tpu.memory_space<semaphore_mem>>)
      %dma_wait3A = arith.constant 4096 : i32
      %dma_wait3A_100 = tpu.memref_slice %arg3[%dma_wait3A] : memref<12288xf32, #tpu.memory_space<hbm>> -> memref<4096xf32, #tpu.memory_space<hbm>>
      %dma_wait3A_101 = arith.constant 4096 : i32
      %dma_wait3A_102 = tpu.memref_slice %arg3[%dma_wait3A_101] : memref<12288xf32, #tpu.memory_space<hbm>> -> memref<4096xf32, #tpu.memory_space<hbm>>
      tpu.wait_dma2 semaphore(%run_scoped3A : memref<!tpu.dma_semaphore, #tpu.memory_space<semaphore_mem>>) src(%dma_wait3A_102 : memref<4096xf32, #tpu.memory_space<hbm>>) dst(%arg10 : memref<4096xf32, #tpu.memory_space<vmem>>)
      tpu.yield
    }) : () -> ()
    "tpu.region"() ({
      %run_scoped3A = tpu.sem_alloc : memref<!tpu.dma_semaphore, #tpu.memory_space<semaphore_mem>>
      %dma_start3A = arith.constant 8192 : i32
      %dma_start3A_97 = tpu.memref_slice %arg3[%dma_start3A] : memref<12288xf32, #tpu.memory_space<hbm>> -> memref<4096xf32, #tpu.memory_space<hbm>>
      %dma_start3A_98 = arith.constant 8192 : i32
      %dma_start3A_99 = tpu.memref_slice %arg3[%dma_start3A_98] : memref<12288xf32, #tpu.memory_space<hbm>> -> memref<4096xf32, #tpu.memory_space<hbm>>
      tpu.enqueue_dma source(%dma_start3A_99 : memref<4096xf32, #tpu.memory_space<hbm>>) target(%arg11 : memref<4096xf32, #tpu.memory_space<vmem>>) target_semaphore(%run_scoped3A : memref<!tpu.dma_semaphore, #tpu.memory_space<semaphore_mem>>)
      %dma_wait3A = arith.constant 8192 : i32
      %dma_wait3A_100 = tpu.memref_slice %arg3[%dma_wait3A] : memref<12288xf32, #tpu.memory_space<hbm>> -> memref<4096xf32, #tpu.memory_space<hbm>>
      %dma_wait3A_101 = arith.constant 8192 : i32
      %dma_wait3A_102 = tpu.memref_slice %arg3[%dma_wait3A_101] : memref<12288xf32, #tpu.memory_space<hbm>> -> memref<4096xf32, #tpu.memory_space<hbm>>
      tpu.wait_dma2 semaphore(%run_scoped3A : memref<!tpu.dma_semaphore, #tpu.memory_space<semaphore_mem>>) src(%dma_wait3A_102 : memref<4096xf32, #tpu.memory_space<hbm>>) dst(%arg11 : memref<4096xf32, #tpu.memory_space<vmem>>)
      tpu.yield
    }) : () -> ()
    "tpu.region"() ({
      %run_scoped3A = tpu.sem_alloc : memref<!tpu.dma_semaphore, #tpu.memory_space<semaphore_mem>>
      tpu.enqueue_dma source(%arg5 : memref<16xf32, #tpu.memory_space<hbm>>) target(%arg20 : memref<16xf32, #tpu.memory_space<vmem>>) target_semaphore(%run_scoped3A : memref<!tpu.dma_semaphore, #tpu.memory_space<semaphore_mem>>)
      tpu.wait_dma2 semaphore(%run_scoped3A : memref<!tpu.dma_semaphore, #tpu.memory_space<semaphore_mem>>) src(%arg5 : memref<16xf32, #tpu.memory_space<hbm>>) dst(%arg20 : memref<16xf32, #tpu.memory_space<vmem>>)
      tpu.yield
    }) : () -> ()
    %scan3A = arith.constant 0 : i32
    %scan3A_9 = arith.constant 0 : i32
    %scan3A_10 = arith.constant 256 : i32
    %scan3A_11 = arith.addi %scan3A_9, %scan3A_10 : i32
    %scan3A_12 = arith.constant 1 : i32
    %scan3A_13 = scf.for %scan3A_97 = %scan3A_9 to %scan3A_11 step %scan3A_12 iter_args(%scan3A_98 = %scan3A) -> (i32)  : i32 {
      %mul3A_99 = arith.constant 16 : i32
      %mul3A_100 = arith.muli %scan3A_97, %mul3A_99 : i32
      %get3A_101 = arith.index_cast %mul3A_100 : i32 to index
      %get3A_102 = tpu.vector_load %arg9[%get3A_101] {strides = array<i32>} : memref<4096xf32, #tpu.memory_space<vmem>>, vector<16xf32>,
      %get3A_103 = arith.index_cast %mul3A_100 : i32 to index
      %get3A_104 = tpu.vector_load %arg10[%get3A_103] {strides = array<i32>} : memref<4096xf32, #tpu.memory_space<vmem>>, vector<16xf32>,
      %get3A_105 = arith.index_cast %mul3A_100 : i32 to index
      %get3A_106 = tpu.vector_load %arg11[%get3A_105] {strides = array<i32>} : memref<4096xf32, #tpu.memory_space<vmem>>, vector<16xf32>,
      %bitcast3A = vector.bitcast %get3A_102 : vector<16xf32> to vector<16xi32>
      %add3A_107 = arith.constant 32767 : i32
      %add3A_108 = vector.broadcast %add3A_107 : i32 to vector<16xi32>
      %add3A_109 = arith.addi %bitcast3A, %add3A_108 : vector<16xi32>
      %shift_right_arithmetic3A = arith.constant 16 : i32
      %shift_right_arithmetic3A_110 = vector.broadcast %shift_right_arithmetic3A : i32 to vector<16xi32>
      %shift_right_arithmetic3A_111 = arith.shrsi %bitcast3A, %shift_right_arithmetic3A_110 : vector<16xi32>
      %and3A = arith.constant 1 : i32
      %and3A_112 = vector.broadcast %and3A : i32 to vector<16xi32>
      %and3A_113 = arith.andi %shift_right_arithmetic3A_111, %and3A_112 : vector<16xi32>
      %add3A_114 = arith.addi %add3A_109, %and3A_113 : vector<16xi32>
      %and3A_115 = arith.constant -65536 : i32
      %and3A_116 = vector.broadcast %and3A_115 : i32 to vector<16xi32>
      %and3A_117 = arith.andi %add3A_114, %and3A_116 : vector<16xi32>
      %bitcast3A_118 = vector.bitcast %and3A_117 : vector<16xi32> to vector<16xf32>
      %swap3A = arith.constant 0 : i32
      %swap3A_119 = arith.index_cast %swap3A : i32 to index
      %swap3A_120 = arith.index_cast %mul3A_100 : i32 to index
      %swap3A_121 = tpu.vector_load %arg8[%swap3A_119, %swap3A_120] {strides = array<i32>} : memref<3x4096xf32, #tpu.memory_space<vmem>>, vector<16xf32>,
      tpu.vector_store %arg8[%swap3A_119, %swap3A_120], %bitcast3A_118 {strides = array<i32>} : memref<3x4096xf32, #tpu.memory_space<vmem>>, vector<16xf32>,
      %bitcast3A_122 = vector.bitcast %get3A_104 : vector<16xf32> to vector<16xi32>
      %add3A_123 = arith.constant 32767 : i32
      %add3A_124 = vector.broadcast %add3A_123 : i32 to vector<16xi32>
      %add3A_125 = arith.addi %bitcast3A_122, %add3A_124 : vector<16xi32>
      %shift_right_arithmetic3A_126 = arith.constant 16 : i32
      %shift_right_arithmetic3A_127 = vector.broadcast %shift_right_arithmetic3A_126 : i32 to vector<16xi32>
      %shift_right_arithmetic3A_128 = arith.shrsi %bitcast3A_122, %shift_right_arithmetic3A_127 : vector<16xi32>
      %and3A_129 = arith.constant 1 : i32
      %and3A_130 = vector.broadcast %and3A_129 : i32 to vector<16xi32>
      %and3A_131 = arith.andi %shift_right_arithmetic3A_128, %and3A_130 : vector<16xi32>
      %add3A_132 = arith.addi %add3A_125, %and3A_131 : vector<16xi32>
      %and3A_133 = arith.constant -65536 : i32
      %and3A_134 = vector.broadcast %and3A_133 : i32 to vector<16xi32>
      %and3A_135 = arith.andi %add3A_132, %and3A_134 : vector<16xi32>
      %bitcast3A_136 = vector.bitcast %and3A_135 : vector<16xi32> to vector<16xf32>
      %swap3A_137 = arith.constant 1 : i32
      %swap3A_138 = arith.index_cast %swap3A_137 : i32 to index
      %swap3A_139 = arith.index_cast %mul3A_100 : i32 to index
      %swap3A_140 = tpu.vector_load %arg8[%swap3A_138, %swap3A_139] {strides = array<i32>} : memref<3x4096xf32, #tpu.memory_space<vmem>>, vector<16xf32>,
      tpu.vector_store %arg8[%swap3A_138, %swap3A_139], %bitcast3A_136 {strides = array<i32>} : memref<3x4096xf32, #tpu.memory_space<vmem>>, vector<16xf32>,
      %bitcast3A_141 = vector.bitcast %get3A_106 : vector<16xf32> to vector<16xi32>
      %add3A_142 = arith.constant 32767 : i32
      %add3A_143 = vector.broadcast %add3A_142 : i32 to vector<16xi32>
      %add3A_144 = arith.addi %bitcast3A_141, %add3A_143 : vector<16xi32>
      %shift_right_arithmetic3A_145 = arith.constant 16 : i32
      %shift_right_arithmetic3A_146 = vector.broadcast %shift_right_arithmetic3A_145 : i32 to vector<16xi32>
      %shift_right_arithmetic3A_147 = arith.shrsi %bitcast3A_141, %shift_right_arithmetic3A_146 : vector<16xi32>
      %and3A_148 = arith.constant 1 : i32
      %and3A_149 = vector.broadcast %and3A_148 : i32 to vector<16xi32>
      %and3A_150 = arith.andi %shift_right_arithmetic3A_147, %and3A_149 : vector<16xi32>
      %add3A_151 = arith.addi %add3A_144, %and3A_150 : vector<16xi32>
      %and3A_152 = arith.constant -65536 : i32
      %and3A_153 = vector.broadcast %and3A_152 : i32 to vector<16xi32>
      %and3A_154 = arith.andi %add3A_151, %and3A_153 : vector<16xi32>
      %bitcast3A_155 = vector.bitcast %and3A_154 : vector<16xi32> to vector<16xf32>
      %swap3A_156 = arith.constant 2 : i32
      %swap3A_157 = arith.index_cast %swap3A_156 : i32 to index
      %swap3A_158 = arith.index_cast %mul3A_100 : i32 to index
      %swap3A_159 = tpu.vector_load %arg8[%swap3A_157, %swap3A_158] {strides = array<i32>} : memref<3x4096xf32, #tpu.memory_space<vmem>>, vector<16xf32>,
      tpu.vector_store %arg8[%swap3A_157, %swap3A_158], %bitcast3A_155 {strides = array<i32>} : memref<3x4096xf32, #tpu.memory_space<vmem>>, vector<16xf32>,
      %mul3A_160 = arith.mulf %get3A_102, %get3A_102 : vector<16xf32>
      %mul3A_161 = arith.mulf %get3A_104, %get3A_104 : vector<16xf32>
      %add3A_162 = arith.addf %mul3A_160, %mul3A_161 : vector<16xf32>
      %mul3A_163 = arith.mulf %get3A_106, %get3A_106 : vector<16xf32>
      %add3A_164 = arith.addf %add3A_162, %mul3A_163 : vector<16xf32>
      %swap3A_165 = arith.index_cast %mul3A_100 : i32 to index
      %swap3A_166 = tpu.vector_load %arg12[%swap3A_165] {strides = array<i32>} : memref<4096xf32, #tpu.memory_space<vmem>>, vector<16xf32>,
      tpu.vector_store %arg12[%swap3A_165], %add3A_164 {strides = array<i32>} : memref<4096xf32, #tpu.memory_space<vmem>>, vector<16xf32>,
      %scan3A_167 = arith.constant 0 : i32
      scf.yield %scan3A_167 : i32
    }
    %scan3A_14 = arith.constant 256 : i32
    %get3A = arith.constant 0 : index
    %get3A_15 = tpu.vector_load %arg20[%get3A] {strides = array<i32>} : memref<16xf32, #tpu.memory_space<vmem>>, vector<16xf32>,
    %slice3A = vector.extract_strided_slice %get3A_15 {offsets = [0], sizes = [1], strides = [1]} : vector<16xf32> to vector<1xf32>
    %squeeze3A = vector.extract %slice3A[0] : f32 from vector<1xf32>
    %mul3A_16 = arith.constant 2.000000e+01 : f32
    %mul3A_17 = arith.mulf %squeeze3A, %mul3A_16 : f32
    %convert_element_type3A = arith.fptosi %mul3A_17 : f32 to i32
    %convert_element_type3A_18 = arith.sitofp %convert_element_type3A : i32 to f32
    %gt3A = arith.cmpf ogt, %convert_element_type3A_18, %mul3A_17 : f32
    %convert_element_type3A_19 = arith.extui %gt3A : i1 to i32
    %sub3A = arith.subi %convert_element_type3A, %convert_element_type3A_19 : i32
    %convert_element_type3A_20 = arith.sitofp %sub3A : i32 to f32
    %sub3A_21 = arith.subf %mul3A_17, %convert_element_type3A_20 : f32
    %gt3A_22 = arith.constant 0.000000e+00 : f32
    %gt3A_23 = arith.cmpf ogt, %sub3A_21, %gt3A_22 : f32
    %add3A_24 = arith.constant 1 : i32
    %add3A_25 = arith.addi %sub3A, %add3A_24 : i32
    %rem3A = arith.constant 20 : i32
    %rem3A_26 = arith.remsi %add3A_25, %rem3A : i32
    %select_n3A = arith.select %gt3A_23, %rem3A_26, %sub3A : i32
    %mul3A_27 = arith.constant 3 : i32
    %mul3A_28 = arith.muli %mul3A_27, %sub3A : i32
    %add3A_29 = arith.constant 0 : i32
    %add3A_30 = arith.addi %mul3A_28, %add3A_29 : i32
    %mul3A_31 = arith.constant 4096 : i32
    %mul3A_32 = arith.muli %add3A_30, %mul3A_31 : i32
    "tpu.region"() ({
      %run_scoped3A = tpu.sem_alloc : memref<!tpu.dma_semaphore, #tpu.memory_space<semaphore_mem>>
      %dma_start3A = tpu.memref_slice %arg4[%mul3A_32] : memref<245760xf32, #tpu.memory_space<hbm>> -> memref<4096xf32, #tpu.memory_space<hbm>>
      %dma_start3A_97 = tpu.memref_slice %arg4[%mul3A_32] : memref<245760xf32, #tpu.memory_space<hbm>> -> memref<4096xf32, #tpu.memory_space<hbm>>
      tpu.enqueue_dma source(%dma_start3A_97 : memref<4096xf32, #tpu.memory_space<hbm>>) target(%arg13 : memref<4096xf32, #tpu.memory_space<vmem>>) target_semaphore(%run_scoped3A : memref<!tpu.dma_semaphore, #tpu.memory_space<semaphore_mem>>)
      %dma_wait3A = tpu.memref_slice %arg4[%mul3A_32] : memref<245760xf32, #tpu.memory_space<hbm>> -> memref<4096xf32, #tpu.memory_space<hbm>>
      %dma_wait3A_98 = tpu.memref_slice %arg4[%mul3A_32] : memref<245760xf32, #tpu.memory_space<hbm>> -> memref<4096xf32, #tpu.memory_space<hbm>>
      tpu.wait_dma2 semaphore(%run_scoped3A : memref<!tpu.dma_semaphore, #tpu.memory_space<semaphore_mem>>) src(%dma_wait3A_98 : memref<4096xf32, #tpu.memory_space<hbm>>) dst(%arg13 : memref<4096xf32, #tpu.memory_space<vmem>>)
      tpu.yield
    }) : () -> ()
    %mul3A_33 = arith.constant 3 : i32
    %mul3A_34 = arith.muli %mul3A_33, %select_n3A : i32
    %add3A_35 = arith.constant 0 : i32
    %add3A_36 = arith.addi %mul3A_34, %add3A_35 : i32
    %mul3A_37 = arith.constant 4096 : i32
    %mul3A_38 = arith.muli %add3A_36, %mul3A_37 : i32
    "tpu.region"() ({
      %run_scoped3A = tpu.sem_alloc : memref<!tpu.dma_semaphore, #tpu.memory_space<semaphore_mem>>
      %dma_start3A = tpu.memref_slice %arg4[%mul3A_38] : memref<245760xf32, #tpu.memory_space<hbm>> -> memref<4096xf32, #tpu.memory_space<hbm>>
      %dma_start3A_97 = tpu.memref_slice %arg4[%mul3A_38] : memref<245760xf32, #tpu.memory_space<hbm>> -> memref<4096xf32, #tpu.memory_space<hbm>>
      tpu.enqueue_dma source(%dma_start3A_97 : memref<4096xf32, #tpu.memory_space<hbm>>) target(%arg14 : memref<4096xf32, #tpu.memory_space<vmem>>) target_semaphore(%run_scoped3A : memref<!tpu.dma_semaphore, #tpu.memory_space<semaphore_mem>>)
      %dma_wait3A = tpu.memref_slice %arg4[%mul3A_38] : memref<245760xf32, #tpu.memory_space<hbm>> -> memref<4096xf32, #tpu.memory_space<hbm>>
      %dma_wait3A_98 = tpu.memref_slice %arg4[%mul3A_38] : memref<245760xf32, #tpu.memory_space<hbm>> -> memref<4096xf32, #tpu.memory_space<hbm>>
      tpu.wait_dma2 semaphore(%run_scoped3A : memref<!tpu.dma_semaphore, #tpu.memory_space<semaphore_mem>>) src(%dma_wait3A_98 : memref<4096xf32, #tpu.memory_space<hbm>>) dst(%arg14 : memref<4096xf32, #tpu.memory_space<vmem>>)
      tpu.yield
    }) : () -> ()
    %scan3A_39 = arith.constant 0 : i32
    %scan3A_40 = arith.constant 0 : i32
    %scan3A_41 = arith.constant 256 : i32
    %scan3A_42 = arith.addi %scan3A_40, %scan3A_41 : i32
    %scan3A_43 = arith.constant 1 : i32
    %scan3A_44 = scf.for %scan3A_97 = %scan3A_40 to %scan3A_42 step %scan3A_43 iter_args(%scan3A_98 = %scan3A_39) -> (i32)  : i32 {
      %mul3A_99 = arith.constant 16 : i32
      %mul3A_100 = arith.muli %scan3A_97, %mul3A_99 : i32
      %sub3A_101 = arith.constant 1.000000e+00 : f32
      %sub3A_102 = arith.subf %sub3A_101, %sub3A_21 : f32
      %get3A_103 = arith.index_cast %mul3A_100 : i32 to index
      %get3A_104 = tpu.vector_load %arg13[%get3A_103] {strides = array<i32>} : memref<4096xf32, #tpu.memory_space<vmem>>, vector<16xf32>,
      %mul3A_105 = vector.broadcast %sub3A_102 : f32 to vector<16xf32>
      %mul3A_106 = arith.mulf %mul3A_105, %get3A_104 : vector<16xf32>
      %get3A_107 = arith.index_cast %mul3A_100 : i32 to index
      %get3A_108 = tpu.vector_load %arg14[%get3A_107] {strides = array<i32>} : memref<4096xf32, #tpu.memory_space<vmem>>, vector<16xf32>,
      %mul3A_109 = vector.broadcast %sub3A_21 : f32 to vector<16xf32>
      %mul3A_110 = arith.mulf %mul3A_109, %get3A_108 : vector<16xf32>
      %add3A_111 = arith.addf %mul3A_106, %mul3A_110 : vector<16xf32>
      %swap3A = arith.index_cast %mul3A_100 : i32 to index
      %swap3A_112 = tpu.vector_load %arg14[%swap3A] {strides = array<i32>} : memref<4096xf32, #tpu.memory_space<vmem>>, vector<16xf32>,
      tpu.vector_store %arg14[%swap3A], %add3A_111 {strides = array<i32>} : memref<4096xf32, #tpu.memory_space<vmem>>, vector<16xf32>,
      %scan3A_113 = arith.constant 0 : i32
      scf.yield %scan3A_113 : i32
    }
    %scan3A_45 = arith.constant 256 : i32
    %mul3A_46 = arith.constant 3 : i32
    %mul3A_47 = arith.muli %mul3A_46, %sub3A : i32
    %add3A_48 = arith.constant 1 : i32
    %add3A_49 = arith.addi %mul3A_47, %add3A_48 : i32
    %mul3A_50 = arith.constant 4096 : i32
    %mul3A_51 = arith.muli %add3A_49, %mul3A_50 : i32
    "tpu.region"() ({
      %run_scoped3A = tpu.sem_alloc : memref<!tpu.dma_semaphore, #tpu.memory_space<semaphore_mem>>
      %dma_start3A = tpu.memref_slice %arg4[%mul3A_51] : memref<245760xf32, #tpu.memory_space<hbm>> -> memref<4096xf32, #tpu.memory_space<hbm>>
      %dma_start3A_97 = tpu.memref_slice %arg4[%mul3A_51] : memref<245760xf32, #tpu.memory_space<hbm>> -> memref<4096xf32, #tpu.memory_space<hbm>>
      tpu.enqueue_dma source(%dma_start3A_97 : memref<4096xf32, #tpu.memory_space<hbm>>) target(%arg13 : memref<4096xf32, #tpu.memory_space<vmem>>) target_semaphore(%run_scoped3A : memref<!tpu.dma_semaphore, #tpu.memory_space<semaphore_mem>>)
      %dma_wait3A = tpu.memref_slice %arg4[%mul3A_51] : memref<245760xf32, #tpu.memory_space<hbm>> -> memref<4096xf32, #tpu.memory_space<hbm>>
      %dma_wait3A_98 = tpu.memref_slice %arg4[%mul3A_51] : memref<245760xf32, #tpu.memory_space<hbm>> -> memref<4096xf32, #tpu.memory_space<hbm>>
      tpu.wait_dma2 semaphore(%run_scoped3A : memref<!tpu.dma_semaphore, #tpu.memory_space<semaphore_mem>>) src(%dma_wait3A_98 : memref<4096xf32, #tpu.memory_space<hbm>>) dst(%arg13 : memref<4096xf32, #tpu.memory_space<vmem>>)
      tpu.yield
    }) : () -> ()
    %mul3A_52 = arith.constant 3 : i32
    %mul3A_53 = arith.muli %mul3A_52, %select_n3A : i32
    %add3A_54 = arith.constant 1 : i32
    %add3A_55 = arith.addi %mul3A_53, %add3A_54 : i32
    %mul3A_56 = arith.constant 4096 : i32
    %mul3A_57 = arith.muli %add3A_55, %mul3A_56 : i32
    "tpu.region"() ({
      %run_scoped3A = tpu.sem_alloc : memref<!tpu.dma_semaphore, #tpu.memory_space<semaphore_mem>>
      %dma_start3A = tpu.memref_slice %arg4[%mul3A_57] : memref<245760xf32, #tpu.memory_space<hbm>> -> memref<4096xf32, #tpu.memory_space<hbm>>
      %dma_start3A_97 = tpu.memref_slice %arg4[%mul3A_57] : memref<245760xf32, #tpu.memory_space<hbm>> -> memref<4096xf32, #tpu.memory_space<hbm>>
      tpu.enqueue_dma source(%dma_start3A_97 : memref<4096xf32, #tpu.memory_space<hbm>>) target(%arg15 : memref<4096xf32, #tpu.memory_space<vmem>>) target_semaphore(%run_scoped3A : memref<!tpu.dma_semaphore, #tpu.memory_space<semaphore_mem>>)
      %dma_wait3A = tpu.memref_slice %arg4[%mul3A_57] : memref<245760xf32, #tpu.memory_space<hbm>> -> memref<4096xf32, #tpu.memory_space<hbm>>
      %dma_wait3A_98 = tpu.memref_slice %arg4[%mul3A_57] : memref<245760xf32, #tpu.memory_space<hbm>> -> memref<4096xf32, #tpu.memory_space<hbm>>
      tpu.wait_dma2 semaphore(%run_scoped3A : memref<!tpu.dma_semaphore, #tpu.memory_space<semaphore_mem>>) src(%dma_wait3A_98 : memref<4096xf32, #tpu.memory_space<hbm>>) dst(%arg15 : memref<4096xf32, #tpu.memory_space<vmem>>)
      tpu.yield
    }) : () -> ()
    %scan3A_58 = arith.constant 0 : i32
    %scan3A_59 = arith.constant 0 : i32
    %scan3A_60 = arith.constant 256 : i32
    %scan3A_61 = arith.addi %scan3A_59, %scan3A_60 : i32
    %scan3A_62 = arith.constant 1 : i32
    %scan3A_63 = scf.for %scan3A_97 = %scan3A_59 to %scan3A_61 step %scan3A_62 iter_args(%scan3A_98 = %scan3A_58) -> (i32)  : i32 {
      %mul3A_99 = arith.constant 16 : i32
      %mul3A_100 = arith.muli %scan3A_97, %mul3A_99 : i32
      %sub3A_101 = arith.constant 1.000000e+00 : f32
      %sub3A_102 = arith.subf %sub3A_101, %sub3A_21 : f32
      %get3A_103 = arith.index_cast %mul3A_100 : i32 to index
      %get3A_104 = tpu.vector_load %arg13[%get3A_103] {strides = array<i32>} : memref<4096xf32, #tpu.memory_space<vmem>>, vector<16xf32>,
      %mul3A_105 = vector.broadcast %sub3A_102 : f32 to vector<16xf32>
      %mul3A_106 = arith.mulf %mul3A_105, %get3A_104 : vector<16xf32>
      %get3A_107 = arith.index_cast %mul3A_100 : i32 to index
      %get3A_108 = tpu.vector_load %arg15[%get3A_107] {strides = array<i32>} : memref<4096xf32, #tpu.memory_space<vmem>>, vector<16xf32>,
      %mul3A_109 = vector.broadcast %sub3A_21 : f32 to vector<16xf32>
      %mul3A_110 = arith.mulf %mul3A_109, %get3A_108 : vector<16xf32>
      %add3A_111 = arith.addf %mul3A_106, %mul3A_110 : vector<16xf32>
      %swap3A = arith.index_cast %mul3A_100 : i32 to index
      %swap3A_112 = tpu.vector_load %arg15[%swap3A] {strides = array<i32>} : memref<4096xf32, #tpu.memory_space<vmem>>, vector<16xf32>,
      tpu.vector_store %arg15[%swap3A], %add3A_111 {strides = array<i32>} : memref<4096xf32, #tpu.memory_space<vmem>>, vector<16xf32>,
      %scan3A_113 = arith.constant 0 : i32
      scf.yield %scan3A_113 : i32
    }
    %scan3A_64 = arith.constant 256 : i32
    %mul3A_65 = arith.constant 3 : i32
    %mul3A_66 = arith.muli %mul3A_65, %sub3A : i32
    %add3A_67 = arith.constant 2 : i32
    %add3A_68 = arith.addi %mul3A_66, %add3A_67 : i32
    %mul3A_69 = arith.constant 4096 : i32
    %mul3A_70 = arith.muli %add3A_68, %mul3A_69 : i32
    "tpu.region"() ({
      %run_scoped3A = tpu.sem_alloc : memref<!tpu.dma_semaphore, #tpu.memory_space<semaphore_mem>>
      %dma_start3A = tpu.memref_slice %arg4[%mul3A_70] : memref<245760xf32, #tpu.memory_space<hbm>> -> memref<4096xf32, #tpu.memory_space<hbm>>
      %dma_start3A_97 = tpu.memref_slice %arg4[%mul3A_70] : memref<245760xf32, #tpu.memory_space<hbm>> -> memref<4096xf32, #tpu.memory_space<hbm>>
      tpu.enqueue_dma source(%dma_start3A_97 : memref<4096xf32, #tpu.memory_space<hbm>>) target(%arg13 : memref<4096xf32, #tpu.memory_space<vmem>>) target_semaphore(%run_scoped3A : memref<!tpu.dma_semaphore, #tpu.memory_space<semaphore_mem>>)
      %dma_wait3A = tpu.memref_slice %arg4[%mul3A_70] : memref<245760xf32, #tpu.memory_space<hbm>> -> memref<4096xf32, #tpu.memory_space<hbm>>
      %dma_wait3A_98 = tpu.memref_slice %arg4[%mul3A_70] : memref<245760xf32, #tpu.memory_space<hbm>> -> memref<4096xf32, #tpu.memory_space<hbm>>
      tpu.wait_dma2 semaphore(%run_scoped3A : memref<!tpu.dma_semaphore, #tpu.memory_space<semaphore_mem>>) src(%dma_wait3A_98 : memref<4096xf32, #tpu.memory_space<hbm>>) dst(%arg13 : memref<4096xf32, #tpu.memory_space<vmem>>)
      tpu.yield
    }) : () -> ()
    %mul3A_71 = arith.constant 3 : i32
    %mul3A_72 = arith.muli %mul3A_71, %select_n3A : i32
    %add3A_73 = arith.constant 2 : i32
    %add3A_74 = arith.addi %mul3A_72, %add3A_73 : i32
    %mul3A_75 = arith.constant 4096 : i32
    %mul3A_76 = arith.muli %add3A_74, %mul3A_75 : i32
    "tpu.region"() ({
      %run_scoped3A = tpu.sem_alloc : memref<!tpu.dma_semaphore, #tpu.memory_space<semaphore_mem>>
      %dma_start3A = tpu.memref_slice %arg4[%mul3A_76] : memref<245760xf32, #tpu.memory_space<hbm>> -> memref<4096xf32, #tpu.memory_space<hbm>>
      %dma_start3A_97 = tpu.memref_slice %arg4[%mul3A_76] : memref<245760xf32, #tpu.memory_space<hbm>> -> memref<4096xf32, #tpu.memory_space<hbm>>
      tpu.enqueue_dma source(%dma_start3A_97 : memref<4096xf32, #tpu.memory_space<hbm>>) target(%arg16 : memref<4096xf32, #tpu.memory_space<vmem>>) target_semaphore(%run_scoped3A : memref<!tpu.dma_semaphore, #tpu.memory_space<semaphore_mem>>)
      %dma_wait3A = tpu.memref_slice %arg4[%mul3A_76] : memref<245760xf32, #tpu.memory_space<hbm>> -> memref<4096xf32, #tpu.memory_space<hbm>>
      %dma_wait3A_98 = tpu.memref_slice %arg4[%mul3A_76] : memref<245760xf32, #tpu.memory_space<hbm>> -> memref<4096xf32, #tpu.memory_space<hbm>>
      tpu.wait_dma2 semaphore(%run_scoped3A : memref<!tpu.dma_semaphore, #tpu.memory_space<semaphore_mem>>) src(%dma_wait3A_98 : memref<4096xf32, #tpu.memory_space<hbm>>) dst(%arg16 : memref<4096xf32, #tpu.memory_space<vmem>>)
      tpu.yield
    }) : () -> ()
    %scan3A_77 = arith.constant 0 : i32
    %scan3A_78 = arith.constant 0 : i32
    %scan3A_79 = arith.constant 256 : i32
    %scan3A_80 = arith.addi %scan3A_78, %scan3A_79 : i32
    %scan3A_81 = arith.constant 1 : i32
    %scan3A_82 = scf.for %scan3A_97 = %scan3A_78 to %scan3A_80 step %scan3A_81 iter_args(%scan3A_98 = %scan3A_77) -> (i32)  : i32 {
      %mul3A_99 = arith.constant 16 : i32
      %mul3A_100 = arith.muli %scan3A_97, %mul3A_99 : i32
      %sub3A_101 = arith.constant 1.000000e+00 : f32
      %sub3A_102 = arith.subf %sub3A_101, %sub3A_21 : f32
      %get3A_103 = arith.index_cast %mul3A_100 : i32 to index
      %get3A_104 = tpu.vector_load %arg13[%get3A_103] {strides = array<i32>} : memref<4096xf32, #tpu.memory_space<vmem>>, vector<16xf32>,
      %mul3A_105 = vector.broadcast %sub3A_102 : f32 to vector<16xf32>
      %mul3A_106 = arith.mulf %mul3A_105, %get3A_104 : vector<16xf32>
      %get3A_107 = arith.index_cast %mul3A_100 : i32 to index
      %get3A_108 = tpu.vector_load %arg16[%get3A_107] {strides = array<i32>} : memref<4096xf32, #tpu.memory_space<vmem>>, vector<16xf32>,
      %mul3A_109 = vector.broadcast %sub3A_21 : f32 to vector<16xf32>
      %mul3A_110 = arith.mulf %mul3A_109, %get3A_108 : vector<16xf32>
      %add3A_111 = arith.addf %mul3A_106, %mul3A_110 : vector<16xf32>
      %swap3A = arith.index_cast %mul3A_100 : i32 to index
      %swap3A_112 = tpu.vector_load %arg16[%swap3A] {strides = array<i32>} : memref<4096xf32, #tpu.memory_space<vmem>>, vector<16xf32>,
      tpu.vector_store %arg16[%swap3A], %add3A_111 {strides = array<i32>} : memref<4096xf32, #tpu.memory_space<vmem>>, vector<16xf32>,
      %scan3A_113 = arith.constant 0 : i32
      scf.yield %scan3A_113 : i32
    }
    %scan3A_83 = arith.constant 256 : i32
    %iota3A = tpu.iota {dimensions = array<i32: 0>} : vector<16xi32>
    %scan3A_84 = arith.constant 0 : i32
    %scan3A_85 = arith.constant 0 : i32
    %scan3A_86 = arith.constant 32 : i32
    %scan3A_87 = arith.addi %scan3A_85, %scan3A_86 : i32
    %scan3A_88 = arith.constant 1 : i32
    %scan3A_89 = scf.for %scan3A_97 = %scan3A_85 to %scan3A_87 step %scan3A_88 iter_args(%scan3A_98 = %scan3A_84) -> (i32)  : i32 {
      %broadcast_in_dim3A = arith.constant 0.000000e+00 : f32
      %broadcast_in_dim3A_99 = vector.broadcast %broadcast_in_dim3A : f32 to vector<16xf32>
      %scan3A_100 = arith.constant 0 : i32
      %scan3A_101 = arith.constant 16 : i32
      %scan3A_102 = arith.addi %scan3A_100, %scan3A_101 : i32
      %scan3A_103 = arith.constant 1 : i32
      %scan3A_104:3 = scf.for %scan3A_122 = %scan3A_100 to %scan3A_102 step %scan3A_103 iter_args(%scan3A_123 = %broadcast_in_dim3A_99, %scan3A_124 = %broadcast_in_dim3A_99, %scan3A_125 = %broadcast_in_dim3A_99) -> (vector<16xf32>, vector<16xf32>, vector<16xf32>)  : i32 {
        %mul3A_126 = arith.constant 16 : i32
        %mul3A_127 = arith.muli %scan3A_97, %mul3A_126 : i32
        %add3A_128 = arith.addi %mul3A_127, %scan3A_122 : i32
        %eq3A = vector.broadcast %scan3A_122 : i32 to vector<16xi32>
        %eq3A_129 = arith.cmpi eq, %iota3A, %eq3A : vector<16xi32>
        %broadcast_in_dim3A_130 = vector.broadcast %add3A_128 : i32 to vector<16xi32>
        %gather3A = tpu.vector_load_idx %arg7[%broadcast_in_dim3A_130] : memref<1536xf32, #tpu.memory_space<vmem>>[vector<16xi32>], vector<16xf32>,
        %add3A_131 = arith.constant 512 : i32
        %add3A_132 = vector.broadcast %add3A_131 : i32 to vector<16xi32>
        %add3A_133 = arith.addi %broadcast_in_dim3A_130, %add3A_132 : vector<16xi32>
        %gather3A_134 = tpu.vector_load_idx %arg7[%add3A_133] : memref<1536xf32, #tpu.memory_space<vmem>>[vector<16xi32>], vector<16xf32>,
        %add3A_135 = arith.constant 1024 : i32
        %add3A_136 = vector.broadcast %add3A_135 : i32 to vector<16xi32>
        %add3A_137 = arith.addi %broadcast_in_dim3A_130, %add3A_136 : vector<16xi32>
        %gather3A_138 = tpu.vector_load_idx %arg7[%add3A_137] : memref<1536xf32, #tpu.memory_space<vmem>>[vector<16xi32>], vector<16xf32>,
        %bitcast3A = vector.bitcast %gather3A : vector<16xf32> to vector<16xi32>
        %add3A_139 = arith.constant 32767 : i32
        %add3A_140 = vector.broadcast %add3A_139 : i32 to vector<16xi32>
        %add3A_141 = arith.addi %bitcast3A, %add3A_140 : vector<16xi32>
        %shift_right_arithmetic3A = arith.constant 16 : i32
        %shift_right_arithmetic3A_142 = vector.broadcast %shift_right_arithmetic3A : i32 to vector<16xi32>
        %shift_right_arithmetic3A_143 = arith.shrsi %bitcast3A, %shift_right_arithmetic3A_142 : vector<16xi32>
        %and3A = arith.constant 1 : i32
        %and3A_144 = vector.broadcast %and3A : i32 to vector<16xi32>
        %and3A_145 = arith.andi %shift_right_arithmetic3A_143, %and3A_144 : vector<16xi32>
        %add3A_146 = arith.addi %add3A_141, %and3A_145 : vector<16xi32>
        %and3A_147 = arith.constant -65536 : i32
        %and3A_148 = vector.broadcast %and3A_147 : i32 to vector<16xi32>
        %and3A_149 = arith.andi %add3A_146, %and3A_148 : vector<16xi32>
        %bitcast3A_150 = vector.bitcast %and3A_149 : vector<16xi32> to vector<16xf32>
        %bitcast3A_151 = vector.bitcast %gather3A_134 : vector<16xf32> to vector<16xi32>
        %add3A_152 = arith.constant 32767 : i32
        %add3A_153 = vector.broadcast %add3A_152 : i32 to vector<16xi32>
        %add3A_154 = arith.addi %bitcast3A_151, %add3A_153 : vector<16xi32>
        %shift_right_arithmetic3A_155 = arith.constant 16 : i32
        %shift_right_arithmetic3A_156 = vector.broadcast %shift_right_arithmetic3A_155 : i32 to vector<16xi32>
        %shift_right_arithmetic3A_157 = arith.shrsi %bitcast3A_151, %shift_right_arithmetic3A_156 : vector<16xi32>
        %and3A_158 = arith.constant 1 : i32
        %and3A_159 = vector.broadcast %and3A_158 : i32 to vector<16xi32>
        %and3A_160 = arith.andi %shift_right_arithmetic3A_157, %and3A_159 : vector<16xi32>
        %add3A_161 = arith.addi %add3A_154, %and3A_160 : vector<16xi32>
        %and3A_162 = arith.constant -65536 : i32
        %and3A_163 = vector.broadcast %and3A_162 : i32 to vector<16xi32>
        %and3A_164 = arith.andi %add3A_161, %and3A_163 : vector<16xi32>
        %bitcast3A_165 = vector.bitcast %and3A_164 : vector<16xi32> to vector<16xf32>
        %bitcast3A_166 = vector.bitcast %gather3A_138 : vector<16xf32> to vector<16xi32>
        %add3A_167 = arith.constant 32767 : i32
        %add3A_168 = vector.broadcast %add3A_167 : i32 to vector<16xi32>
        %add3A_169 = arith.addi %bitcast3A_166, %add3A_168 : vector<16xi32>
        %shift_right_arithmetic3A_170 = arith.constant 16 : i32
        %shift_right_arithmetic3A_171 = vector.broadcast %shift_right_arithmetic3A_170 : i32 to vector<16xi32>
        %shift_right_arithmetic3A_172 = arith.shrsi %bitcast3A_166, %shift_right_arithmetic3A_171 : vector<16xi32>
        %and3A_173 = arith.constant 1 : i32
        %and3A_174 = vector.broadcast %and3A_173 : i32 to vector<16xi32>
        %and3A_175 = arith.andi %shift_right_arithmetic3A_172, %and3A_174 : vector<16xi32>
        %add3A_176 = arith.addi %add3A_169, %and3A_175 : vector<16xi32>
        %and3A_177 = arith.constant -65536 : i32
        %and3A_178 = vector.broadcast %and3A_177 : i32 to vector<16xi32>
        %and3A_179 = arith.andi %add3A_176, %and3A_178 : vector<16xi32>
        %bitcast3A_180 = vector.bitcast %and3A_179 : vector<16xi32> to vector<16xf32>
        %mul3A_181 = arith.mulf %gather3A, %gather3A : vector<16xf32>
        %mul3A_182 = arith.mulf %gather3A_134, %gather3A_134 : vector<16xf32>
        %add3A_183 = arith.addf %mul3A_181, %mul3A_182 : vector<16xf32>
        %mul3A_184 = arith.mulf %gather3A_138, %gather3A_138 : vector<16xf32>
        %add3A_185 = arith.addf %add3A_183, %mul3A_184 : vector<16xf32>
        %broadcast_in_dim3A_186 = arith.constant 3.000000e+38 : f32
        %broadcast_in_dim3A_187 = vector.broadcast %broadcast_in_dim3A_186 : f32 to vector<16xf32>
        %broadcast_in_dim3A_188 = arith.constant 0.000000e+00 : f32
        %broadcast_in_dim3A_189 = vector.broadcast %broadcast_in_dim3A_188 : f32 to vector<16xf32>
        %scan3A_190 = arith.constant 0 : i32
        %scan3A_191 = arith.constant 64 : i32
        %scan3A_192 = arith.addi %scan3A_190, %scan3A_191 : i32
        %scan3A_193 = arith.constant 1 : i32
        %scan3A_194:8 = scf.for %scan3A_370 = %scan3A_190 to %scan3A_192 step %scan3A_193 iter_args(%scan3A_371 = %broadcast_in_dim3A_187, %scan3A_372 = %broadcast_in_dim3A_187, %scan3A_373 = %broadcast_in_dim3A_187, %scan3A_374 = %broadcast_in_dim3A_187, %scan3A_375 = %broadcast_in_dim3A_187, %scan3A_376 = %broadcast_in_dim3A_187, %scan3A_377 = %broadcast_in_dim3A_187, %scan3A_378 = %broadcast_in_dim3A_187) -> (vector<16xf32>, vector<16xf32>, vector<16xf32>, vector<16xf32>, vector<16xf32>, vector<16xf32>, vector<16xf32>, vector<16xf32>)  : i32 {
          %mul3A_379 = arith.constant 4 : i32
          %mul3A_380 = arith.muli %mul3A_379, %scan3A_370 : i32
          %add3A_381 = arith.constant 0 : i32
          %add3A_382 = arith.addi %mul3A_380, %add3A_381 : i32
          %mul3A_383 = arith.constant 16 : i32
          %mul3A_384 = arith.muli %add3A_382, %mul3A_383 : i32
          %get3A_385 = arith.constant 0 : i32
          %get3A_386 = arith.index_cast %get3A_385 : i32 to index
          %get3A_387 = arith.index_cast %mul3A_384 : i32 to index
          %get3A_388 = tpu.vector_load %arg8[%get3A_386, %get3A_387] {strides = array<i32>} : memref<3x4096xf32, #tpu.memory_space<vmem>>, vector<16xf32>,
          %mul3A_389 = arith.mulf %bitcast3A_150, %get3A_388 : vector<16xf32>
          %get3A_390 = arith.constant 1 : i32
          %get3A_391 = arith.index_cast %get3A_390 : i32 to index
          %get3A_392 = arith.index_cast %mul3A_384 : i32 to index
          %get3A_393 = tpu.vector_load %arg8[%get3A_391, %get3A_392] {strides = array<i32>} : memref<3x4096xf32, #tpu.memory_space<vmem>>, vector<16xf32>,
          %mul3A_394 = arith.mulf %bitcast3A_165, %get3A_393 : vector<16xf32>
          %add3A_395 = arith.addf %mul3A_389, %mul3A_394 : vector<16xf32>
          %get3A_396 = arith.constant 2 : i32
          %get3A_397 = arith.index_cast %get3A_396 : i32 to index
          %get3A_398 = arith.index_cast %mul3A_384 : i32 to index
          %get3A_399 = tpu.vector_load %arg8[%get3A_397, %get3A_398] {strides = array<i32>} : memref<3x4096xf32, #tpu.memory_space<vmem>>, vector<16xf32>,
          %mul3A_400 = arith.mulf %bitcast3A_180, %get3A_399 : vector<16xf32>
          %add3A_401 = arith.addf %add3A_395, %mul3A_400 : vector<16xf32>
          %get3A_402 = arith.index_cast %mul3A_384 : i32 to index
          %get3A_403 = tpu.vector_load %arg12[%get3A_402] {strides = array<i32>} : memref<4096xf32, #tpu.memory_space<vmem>>, vector<16xf32>,
          %add3A_404 = arith.addf %add3A_185, %get3A_403 : vector<16xf32>
          %mul3A_405 = arith.constant 2.000000e+00 : f32
          %mul3A_406 = vector.broadcast %mul3A_405 : f32 to vector<16xf32>
          %mul3A_407 = arith.mulf %mul3A_406, %add3A_401 : vector<16xf32>
          %sub3A_408 = arith.subf %add3A_404, %mul3A_407 : vector<16xf32>
          %max3A_409 = arith.maximumf %sub3A_408, %broadcast_in_dim3A_189 : vector<16xf32>
          %swap3A_410 = arith.index_cast %mul3A_384 : i32 to index
          %swap3A_411 = tpu.vector_load %arg17[%swap3A_410] {strides = array<i32>} : memref<4096xf32, #tpu.memory_space<vmem>>, vector<16xf32>,
          tpu.vector_store %arg17[%swap3A_410], %max3A_409 {strides = array<i32>} : memref<4096xf32, #tpu.memory_space<vmem>>, vector<16xf32>,
          %min3A_412 = arith.minimumf %scan3A_371, %max3A_409 : vector<16xf32>
          %max3A_413 = arith.maximumf %scan3A_371, %max3A_409 : vector<16xf32>
          %min3A_414 = arith.minimumf %scan3A_372, %max3A_413 : vector<16xf32>
          %mul3A_415 = arith.constant 4 : i32
          %mul3A_416 = arith.muli %mul3A_415, %scan3A_370 : i32
          %add3A_417 = arith.constant 1 : i32
          %add3A_418 = arith.addi %mul3A_416, %add3A_417 : i32
          %mul3A_419 = arith.constant 16 : i32
          %mul3A_420 = arith.muli %add3A_418, %mul3A_419 : i32
          %get3A_421 = arith.constant 0 : i32
          %get3A_422 = arith.index_cast %get3A_421 : i32 to index
          %get3A_423 = arith.index_cast %mul3A_420 : i32 to index
          %get3A_424 = tpu.vector_load %arg8[%get3A_422, %get3A_423] {strides = array<i32>} : memref<3x4096xf32, #tpu.memory_space<vmem>>, vector<16xf32>,
          %mul3A_425 = arith.mulf %bitcast3A_150, %get3A_424 : vector<16xf32>
          %get3A_426 = arith.constant 1 : i32
          %get3A_427 = arith.index_cast %get3A_426 : i32 to index
          %get3A_428 = arith.index_cast %mul3A_420 : i32 to index
          %get3A_429 = tpu.vector_load %arg8[%get3A_427, %get3A_428] {strides = array<i32>} : memref<3x4096xf32, #tpu.memory_space<vmem>>, vector<16xf32>,
          %mul3A_430 = arith.mulf %bitcast3A_165, %get3A_429 : vector<16xf32>
          %add3A_431 = arith.addf %mul3A_425, %mul3A_430 : vector<16xf32>
          %get3A_432 = arith.constant 2 : i32
          %get3A_433 = arith.index_cast %get3A_432 : i32 to index
          %get3A_434 = arith.index_cast %mul3A_420 : i32 to index
          %get3A_435 = tpu.vector_load %arg8[%get3A_433, %get3A_434] {strides = array<i32>} : memref<3x4096xf32, #tpu.memory_space<vmem>>, vector<16xf32>,
          %mul3A_436 = arith.mulf %bitcast3A_180, %get3A_435 : vector<16xf32>
          %add3A_437 = arith.addf %add3A_431, %mul3A_436 : vector<16xf32>
          %get3A_438 = arith.index_cast %mul3A_420 : i32 to index
          %get3A_439 = tpu.vector_load %arg12[%get3A_438] {strides = array<i32>} : memref<4096xf32, #tpu.memory_space<vmem>>, vector<16xf32>,
          %add3A_440 = arith.addf %add3A_185, %get3A_439 : vector<16xf32>
          %mul3A_441 = arith.constant 2.000000e+00 : f32
          %mul3A_442 = vector.broadcast %mul3A_441 : f32 to vector<16xf32>
          %mul3A_443 = arith.mulf %mul3A_442, %add3A_437 : vector<16xf32>
          %sub3A_444 = arith.subf %add3A_440, %mul3A_443 : vector<16xf32>
          %max3A_445 = arith.maximumf %sub3A_444, %broadcast_in_dim3A_189 : vector<16xf32>
          %swap3A_446 = arith.index_cast %mul3A_420 : i32 to index
          %swap3A_447 = tpu.vector_load %arg17[%swap3A_446] {strides = array<i32>} : memref<4096xf32, #tpu.memory_space<vmem>>, vector<16xf32>,
          tpu.vector_store %arg17[%swap3A_446], %max3A_445 {strides = array<i32>} : memref<4096xf32, #tpu.memory_space<vmem>>, vector<16xf32>,
          %min3A_448 = arith.minimumf %scan3A_373, %max3A_445 : vector<16xf32>
          %max3A_449 = arith.maximumf %scan3A_373, %max3A_445 : vector<16xf32>
          %min3A_450 = arith.minimumf %scan3A_374, %max3A_449 : vector<16xf32>
          %mul3A_451 = arith.constant 4 : i32
          %mul3A_452 = arith.muli %mul3A_451, %scan3A_370 : i32
          %add3A_453 = arith.constant 2 : i32
          %add3A_454 = arith.addi %mul3A_452, %add3A_453 : i32
          %mul3A_455 = arith.constant 16 : i32
          %mul3A_456 = arith.muli %add3A_454, %mul3A_455 : i32
          %get3A_457 = arith.constant 0 : i32
          %get3A_458 = arith.index_cast %get3A_457 : i32 to index
          %get3A_459 = arith.index_cast %mul3A_456 : i32 to index
          %get3A_460 = tpu.vector_load %arg8[%get3A_458, %get3A_459] {strides = array<i32>} : memref<3x4096xf32, #tpu.memory_space<vmem>>, vector<16xf32>,
          %mul3A_461 = arith.mulf %bitcast3A_150, %get3A_460 : vector<16xf32>
          %get3A_462 = arith.constant 1 : i32
          %get3A_463 = arith.index_cast %get3A_462 : i32 to index
          %get3A_464 = arith.index_cast %mul3A_456 : i32 to index
          %get3A_465 = tpu.vector_load %arg8[%get3A_463, %get3A_464] {strides = array<i32>} : memref<3x4096xf32, #tpu.memory_space<vmem>>, vector<16xf32>,
          %mul3A_466 = arith.mulf %bitcast3A_165, %get3A_465 : vector<16xf32>
          %add3A_467 = arith.addf %mul3A_461, %mul3A_466 : vector<16xf32>
          %get3A_468 = arith.constant 2 : i32
          %get3A_469 = arith.index_cast %get3A_468 : i32 to index
          %get3A_470 = arith.index_cast %mul3A_456 : i32 to index
          %get3A_471 = tpu.vector_load %arg8[%get3A_469, %get3A_470] {strides = array<i32>} : memref<3x4096xf32, #tpu.memory_space<vmem>>, vector<16xf32>,
          %mul3A_472 = arith.mulf %bitcast3A_180, %get3A_471 : vector<16xf32>
          %add3A_473 = arith.addf %add3A_467, %mul3A_472 : vector<16xf32>
          %get3A_474 = arith.index_cast %mul3A_456 : i32 to index
          %get3A_475 = tpu.vector_load %arg12[%get3A_474] {strides = array<i32>} : memref<4096xf32, #tpu.memory_space<vmem>>, vector<16xf32>,
          %add3A_476 = arith.addf %add3A_185, %get3A_475 : vector<16xf32>
          %mul3A_477 = arith.constant 2.000000e+00 : f32
          %mul3A_478 = vector.broadcast %mul3A_477 : f32 to vector<16xf32>
          %mul3A_479 = arith.mulf %mul3A_478, %add3A_473 : vector<16xf32>
          %sub3A_480 = arith.subf %add3A_476, %mul3A_479 : vector<16xf32>
          %max3A_481 = arith.maximumf %sub3A_480, %broadcast_in_dim3A_189 : vector<16xf32>
          %swap3A_482 = arith.index_cast %mul3A_456 : i32 to index
          %swap3A_483 = tpu.vector_load %arg17[%swap3A_482] {strides = array<i32>} : memref<4096xf32, #tpu.memory_space<vmem>>, vector<16xf32>,
          tpu.vector_store %arg17[%swap3A_482], %max3A_481 {strides = array<i32>} : memref<4096xf32, #tpu.memory_space<vmem>>, vector<16xf32>,
          %min3A_484 = arith.minimumf %scan3A_375, %max3A_481 : vector<16xf32>
          %max3A_485 = arith.maximumf %scan3A_375, %max3A_481 : vector<16xf32>
          %min3A_486 = arith.minimumf %scan3A_376, %max3A_485 : vector<16xf32>
          %mul3A_487 = arith.constant 4 : i32
          %mul3A_488 = arith.muli %mul3A_487, %scan3A_370 : i32
          %add3A_489 = arith.constant 3 : i32
          %add3A_490 = arith.addi %mul3A_488, %add3A_489 : i32
          %mul3A_491 = arith.constant 16 : i32
          %mul3A_492 = arith.muli %add3A_490, %mul3A_491 : i32
          %get3A_493 = arith.constant 0 : i32
          %get3A_494 = arith.index_cast %get3A_493 : i32 to index
          %get3A_495 = arith.index_cast %mul3A_492 : i32 to index
          %get3A_496 = tpu.vector_load %arg8[%get3A_494, %get3A_495] {strides = array<i32>} : memref<3x4096xf32, #tpu.memory_space<vmem>>, vector<16xf32>,
          %mul3A_497 = arith.mulf %bitcast3A_150, %get3A_496 : vector<16xf32>
          %get3A_498 = arith.constant 1 : i32
          %get3A_499 = arith.index_cast %get3A_498 : i32 to index
          %get3A_500 = arith.index_cast %mul3A_492 : i32 to index
          %get3A_501 = tpu.vector_load %arg8[%get3A_499, %get3A_500] {strides = array<i32>} : memref<3x4096xf32, #tpu.memory_space<vmem>>, vector<16xf32>,
          %mul3A_502 = arith.mulf %bitcast3A_165, %get3A_501 : vector<16xf32>
          %add3A_503 = arith.addf %mul3A_497, %mul3A_502 : vector<16xf32>
          %get3A_504 = arith.constant 2 : i32
          %get3A_505 = arith.index_cast %get3A_504 : i32 to index
          %get3A_506 = arith.index_cast %mul3A_492 : i32 to index
          %get3A_507 = tpu.vector_load %arg8[%get3A_505, %get3A_506] {strides = array<i32>} : memref<3x4096xf32, #tpu.memory_space<vmem>>, vector<16xf32>,
          %mul3A_508 = arith.mulf %bitcast3A_180, %get3A_507 : vector<16xf32>
          %add3A_509 = arith.addf %add3A_503, %mul3A_508 : vector<16xf32>
          %get3A_510 = arith.index_cast %mul3A_492 : i32 to index
          %get3A_511 = tpu.vector_load %arg12[%get3A_510] {strides = array<i32>} : memref<4096xf32, #tpu.memory_space<vmem>>, vector<16xf32>,
          %add3A_512 = arith.addf %add3A_185, %get3A_511 : vector<16xf32>
          %mul3A_513 = arith.constant 2.000000e+00 : f32
          %mul3A_514 = vector.broadcast %mul3A_513 : f32 to vector<16xf32>
          %mul3A_515 = arith.mulf %mul3A_514, %add3A_509 : vector<16xf32>
          %sub3A_516 = arith.subf %add3A_512, %mul3A_515 : vector<16xf32>
          %max3A_517 = arith.maximumf %sub3A_516, %broadcast_in_dim3A_189 : vector<16xf32>
          %swap3A_518 = arith.index_cast %mul3A_492 : i32 to index
          %swap3A_519 = tpu.vector_load %arg17[%swap3A_518] {strides = array<i32>} : memref<4096xf32, #tpu.memory_space<vmem>>, vector<16xf32>,
          tpu.vector_store %arg17[%swap3A_518], %max3A_517 {strides = array<i32>} : memref<4096xf32, #tpu.memory_space<vmem>>, vector<16xf32>,
          %min3A_520 = arith.minimumf %scan3A_377, %max3A_517 : vector<16xf32>
          %max3A_521 = arith.maximumf %scan3A_377, %max3A_517 : vector<16xf32>
          %min3A_522 = arith.minimumf %scan3A_378, %max3A_521 : vector<16xf32>
          scf.yield %min3A_412, %min3A_414, %min3A_448, %min3A_450, %min3A_484, %min3A_486, %min3A_520, %min3A_522 : vector<16xf32>, vector<16xf32>, vector<16xf32>, vector<16xf32>, vector<16xf32>, vector<16xf32>, vector<16xf32>, vector<16xf32>
        }
        %scan3A_195 = arith.constant 64 : i32
        %max3A = arith.maximumf %scan3A_194#0, %scan3A_194#2 : vector<16xf32>
        %min3A = arith.minimumf %scan3A_194#1, %scan3A_194#3 : vector<16xf32>
        %min3A_196 = arith.minimumf %max3A, %min3A : vector<16xf32>
        %min3A_197 = arith.minimumf %scan3A_194#0, %scan3A_194#2 : vector<16xf32>
        %max3A_198 = arith.maximumf %min3A_197, %scan3A_194#4 : vector<16xf32>
        %min3A_199 = arith.minimumf %min3A_196, %scan3A_194#5 : vector<16xf32>
        %min3A_200 = arith.minimumf %max3A_198, %min3A_199 : vector<16xf32>
        %min3A_201 = arith.minimumf %min3A_197, %scan3A_194#4 : vector<16xf32>
        %max3A_202 = arith.maximumf %min3A_201, %scan3A_194#6 : vector<16xf32>
        %min3A_203 = arith.minimumf %min3A_200, %scan3A_194#7 : vector<16xf32>
        %min3A_204 = arith.minimumf %max3A_202, %min3A_203 : vector<16xf32>
        %min3A_205 = arith.minimumf %min3A_201, %scan3A_194#6 : vector<16xf32>
        %reduce_min3A = arith.constant true
        %reduce_min3A_206 = vector.broadcast %reduce_min3A : i1 to vector<16xi1>
        %reduce_min3A_207 = tpu.scan <min>, %min3A_205 masked %reduce_min3A_206 : vector<16xf32>, vector<16xi1> -> vector<16xf32>
        %reduce_min3A_208 = vector.extract %reduce_min3A_207[15] : f32 from vector<16xf32>
        %reduce_max3A = arith.constant true
        %reduce_max3A_209 = vector.broadcast %reduce_max3A : i1 to vector<16xi1>
        %reduce_max3A_210 = tpu.scan <max>, %min3A_204 masked %reduce_max3A_209 : vector<16xf32>, vector<16xi1> -> vector<16xf32>
        %reduce_max3A_211 = vector.extract %reduce_max3A_210[15] : f32 from vector<16xf32>
        %scan3A_212 = arith.constant 0 : i32
        %scan3A_213 = arith.constant 0 : i32
        %scan3A_214 = arith.constant 64 : i32
        %scan3A_215 = arith.addi %scan3A_213, %scan3A_214 : i32
        %scan3A_216 = arith.constant 1 : i32
        %scan3A_217 = scf.for %scan3A_370 = %scan3A_213 to %scan3A_215 step %scan3A_216 iter_args(%scan3A_371 = %scan3A_212) -> (i32)  : i32 {
          %mul3A_372 = arith.constant 4 : i32
          %mul3A_373 = arith.muli %mul3A_372, %scan3A_370 : i32
          %add3A_374 = arith.constant 0 : i32
          %add3A_375 = arith.addi %mul3A_373, %add3A_374 : i32
          %mul3A_376 = arith.constant 16 : i32
          %mul3A_377 = arith.muli %add3A_375, %mul3A_376 : i32
          %get3A_378 = arith.index_cast %mul3A_377 : i32 to index
          %get3A_379 = tpu.vector_load %arg17[%get3A_378] {strides = array<i32>} : memref<4096xf32, #tpu.memory_space<vmem>>, vector<16xf32>,
          %le3A = vector.broadcast %reduce_max3A_211 : f32 to vector<16xf32>
          %le3A_380 = arith.cmpf ole, %get3A_379, %le3A : vector<16xf32>
          %convert_element_type3A_381 = arith.extui %le3A_380 : vector<16xi1> to vector<16xi32>
          %broadcast_in_dim3A_382 = arith.constant true
          %broadcast_in_dim3A_383 = vector.broadcast %broadcast_in_dim3A_382 : i1 to vector<16xi1>
          %masked_cumsum3A = tpu.scan <sum>, %convert_element_type3A_381 masked %broadcast_in_dim3A_383 : vector<16xi32>, vector<16xi1> -> vector<16xi32>
          %mul3A_384 = arith.constant 4 : i32
          %mul3A_385 = arith.muli %mul3A_384, %scan3A_370 : i32
          %add3A_386 = arith.constant 1 : i32
          %add3A_387 = arith.addi %mul3A_385, %add3A_386 : i32
          %mul3A_388 = arith.constant 16 : i32
          %mul3A_389 = arith.muli %add3A_387, %mul3A_388 : i32
          %get3A_390 = arith.index_cast %mul3A_389 : i32 to index
          %get3A_391 = tpu.vector_load %arg17[%get3A_390] {strides = array<i32>} : memref<4096xf32, #tpu.memory_space<vmem>>, vector<16xf32>,
          %le3A_392 = vector.broadcast %reduce_max3A_211 : f32 to vector<16xf32>
          %le3A_393 = arith.cmpf ole, %get3A_391, %le3A_392 : vector<16xf32>
          %convert_element_type3A_394 = arith.extui %le3A_393 : vector<16xi1> to vector<16xi32>
          %broadcast_in_dim3A_395 = arith.constant true
          %broadcast_in_dim3A_396 = vector.broadcast %broadcast_in_dim3A_395 : i1 to vector<16xi1>
          %masked_cumsum3A_397 = tpu.scan <sum>, %convert_element_type3A_394 masked %broadcast_in_dim3A_396 : vector<16xi32>, vector<16xi1> -> vector<16xi32>
          %mul3A_398 = arith.constant 4 : i32
          %mul3A_399 = arith.muli %mul3A_398, %scan3A_370 : i32
          %add3A_400 = arith.constant 2 : i32
          %add3A_401 = arith.addi %mul3A_399, %add3A_400 : i32
          %mul3A_402 = arith.constant 16 : i32
          %mul3A_403 = arith.muli %add3A_401, %mul3A_402 : i32
          %get3A_404 = arith.index_cast %mul3A_403 : i32 to index
          %get3A_405 = tpu.vector_load %arg17[%get3A_404] {strides = array<i32>} : memref<4096xf32, #tpu.memory_space<vmem>>, vector<16xf32>,
          %le3A_406 = vector.broadcast %reduce_max3A_211 : f32 to vector<16xf32>
          %le3A_407 = arith.cmpf ole, %get3A_405, %le3A_406 : vector<16xf32>
          %convert_element_type3A_408 = arith.extui %le3A_407 : vector<16xi1> to vector<16xi32>
          %broadcast_in_dim3A_409 = arith.constant true
          %broadcast_in_dim3A_410 = vector.broadcast %broadcast_in_dim3A_409 : i1 to vector<16xi1>
          %masked_cumsum3A_411 = tpu.scan <sum>, %convert_element_type3A_408 masked %broadcast_in_dim3A_410 : vector<16xi32>, vector<16xi1> -> vector<16xi32>
          %mul3A_412 = arith.constant 4 : i32
          %mul3A_413 = arith.muli %mul3A_412, %scan3A_370 : i32
          %add3A_414 = arith.constant 3 : i32
          %add3A_415 = arith.addi %mul3A_413, %add3A_414 : i32
          %mul3A_416 = arith.constant 16 : i32
          %mul3A_417 = arith.muli %add3A_415, %mul3A_416 : i32
          %get3A_418 = arith.index_cast %mul3A_417 : i32 to index
          %get3A_419 = tpu.vector_load %arg17[%get3A_418] {strides = array<i32>} : memref<4096xf32, #tpu.memory_space<vmem>>, vector<16xf32>,
          %le3A_420 = vector.broadcast %reduce_max3A_211 : f32 to vector<16xf32>
          %le3A_421 = arith.cmpf ole, %get3A_419, %le3A_420 : vector<16xf32>
          %convert_element_type3A_422 = arith.extui %le3A_421 : vector<16xi1> to vector<16xi32>
          %broadcast_in_dim3A_423 = arith.constant true
          %broadcast_in_dim3A_424 = vector.broadcast %broadcast_in_dim3A_423 : i1 to vector<16xi1>
          %masked_cumsum3A_425 = tpu.scan <sum>, %convert_element_type3A_422 masked %broadcast_in_dim3A_424 : vector<16xi32>, vector<16xi1> -> vector<16xi32>
          %add3A_426 = vector.broadcast %scan3A_371 : i32 to vector<16xi32>
          %add3A_427 = arith.addi %add3A_426, %masked_cumsum3A : vector<16xi32>
          %sub3A_428 = arith.constant 1 : i32
          %sub3A_429 = vector.broadcast %sub3A_428 : i32 to vector<16xi32>
          %sub3A_430 = arith.subi %add3A_427, %sub3A_429 : vector<16xi32>
          %lt3A_431 = arith.constant 1024 : i32
          %lt3A_432 = vector.broadcast %lt3A_431 : i32 to vector<16xi32>
          %lt3A_433 = arith.cmpi slt, %sub3A_430, %lt3A_432 : vector<16xi32>
          %and3A_434 = arith.andi %le3A_380, %lt3A_433 : vector<16xi1>
          %jit3A = arith.constant 0 : i32
          %jit3A_435 = arith.constant 1023 : i32
          %max3A_436 = vector.broadcast %jit3A : i32 to vector<16xi32>
          %max3A_437 = arith.maxsi %max3A_436, %sub3A_430 : vector<16xi32>
          %min3A_438 = vector.broadcast %jit3A_435 : i32 to vector<16xi32>
          %min3A_439 = arith.minsi %min3A_438, %max3A_437 : vector<16xi32>
          tpu.vector_store_idx %arg18[%min3A_439], %get3A_379 masked %and3A_434 : memref<1024xf32, #tpu.memory_space<vmem>>[vector<16xi32>], vector<16xf32>, vector<16xi1>
          %mul3A_440 = arith.constant 4 : i32
          %mul3A_441 = arith.muli %mul3A_440, %scan3A_370 : i32
          %add3A_442 = arith.constant 0 : i32
          %add3A_443 = arith.addi %mul3A_441, %add3A_442 : i32
          %mul3A_444 = arith.constant 16 : i32
          %mul3A_445 = arith.muli %add3A_443, %mul3A_444 : i32
          %add3A_446 = vector.broadcast %mul3A_445 : i32 to vector<16xi32>
          %add3A_447 = arith.addi %iota3A, %add3A_446 : vector<16xi32>
          tpu.vector_store_idx %arg19[%min3A_439], %add3A_447 masked %and3A_434 : memref<1024xi32, #tpu.memory_space<vmem>>[vector<16xi32>], vector<16xi32>, vector<16xi1>
          %slice3A_448 = vector.extract_strided_slice %masked_cumsum3A {offsets = [15], sizes = [1], strides = [1]} : vector<16xi32> to vector<1xi32>
          %squeeze3A_449 = vector.extract %slice3A_448[0] : i32 from vector<1xi32>
          %add3A_450 = arith.addi %scan3A_371, %squeeze3A_449 : i32
          %add3A_451 = vector.broadcast %add3A_450 : i32 to vector<16xi32>
          %add3A_452 = arith.addi %add3A_451, %masked_cumsum3A_397 : vector<16xi32>
          %sub3A_453 = arith.constant 1 : i32
          %sub3A_454 = vector.broadcast %sub3A_453 : i32 to vector<16xi32>
          %sub3A_455 = arith.subi %add3A_452, %sub3A_454 : vector<16xi32>
          %lt3A_456 = arith.constant 1024 : i32
          %lt3A_457 = vector.broadcast %lt3A_456 : i32 to vector<16xi32>
          %lt3A_458 = arith.cmpi slt, %sub3A_455, %lt3A_457 : vector<16xi32>
          %and3A_459 = arith.andi %le3A_393, %lt3A_458 : vector<16xi1>
          %jit3A_460 = arith.constant 0 : i32
          %jit3A_461 = arith.constant 1023 : i32
          %max3A_462 = vector.broadcast %jit3A_460 : i32 to vector<16xi32>
          %max3A_463 = arith.maxsi %max3A_462, %sub3A_455 : vector<16xi32>
          %min3A_464 = vector.broadcast %jit3A_461 : i32 to vector<16xi32>
          %min3A_465 = arith.minsi %min3A_464, %max3A_463 : vector<16xi32>
          tpu.vector_store_idx %arg18[%min3A_465], %get3A_391 masked %and3A_459 : memref<1024xf32, #tpu.memory_space<vmem>>[vector<16xi32>], vector<16xf32>, vector<16xi1>
          %mul3A_466 = arith.constant 4 : i32
          %mul3A_467 = arith.muli %mul3A_466, %scan3A_370 : i32
          %add3A_468 = arith.constant 1 : i32
          %add3A_469 = arith.addi %mul3A_467, %add3A_468 : i32
          %mul3A_470 = arith.constant 16 : i32
          %mul3A_471 = arith.muli %add3A_469, %mul3A_470 : i32
          %add3A_472 = vector.broadcast %mul3A_471 : i32 to vector<16xi32>
          %add3A_473 = arith.addi %iota3A, %add3A_472 : vector<16xi32>
          tpu.vector_store_idx %arg19[%min3A_465], %add3A_473 masked %and3A_459 : memref<1024xi32, #tpu.memory_space<vmem>>[vector<16xi32>], vector<16xi32>, vector<16xi1>
          %slice3A_474 = vector.extract_strided_slice %masked_cumsum3A_397 {offsets = [15], sizes = [1], strides = [1]} : vector<16xi32> to vector<1xi32>
          %squeeze3A_475 = vector.extract %slice3A_474[0] : i32 from vector<1xi32>
          %add3A_476 = arith.addi %add3A_450, %squeeze3A_475 : i32
          %add3A_477 = vector.broadcast %add3A_476 : i32 to vector<16xi32>
          %add3A_478 = arith.addi %add3A_477, %masked_cumsum3A_411 : vector<16xi32>
          %sub3A_479 = arith.constant 1 : i32
          %sub3A_480 = vector.broadcast %sub3A_479 : i32 to vector<16xi32>
          %sub3A_481 = arith.subi %add3A_478, %sub3A_480 : vector<16xi32>
          %lt3A_482 = arith.constant 1024 : i32
          %lt3A_483 = vector.broadcast %lt3A_482 : i32 to vector<16xi32>
          %lt3A_484 = arith.cmpi slt, %sub3A_481, %lt3A_483 : vector<16xi32>
          %and3A_485 = arith.andi %le3A_407, %lt3A_484 : vector<16xi1>
          %jit3A_486 = arith.constant 0 : i32
          %jit3A_487 = arith.constant 1023 : i32
          %max3A_488 = vector.broadcast %jit3A_486 : i32 to vector<16xi32>
          %max3A_489 = arith.maxsi %max3A_488, %sub3A_481 : vector<16xi32>
          %min3A_490 = vector.broadcast %jit3A_487 : i32 to vector<16xi32>
          %min3A_491 = arith.minsi %min3A_490, %max3A_489 : vector<16xi32>
          tpu.vector_store_idx %arg18[%min3A_491], %get3A_405 masked %and3A_485 : memref<1024xf32, #tpu.memory_space<vmem>>[vector<16xi32>], vector<16xf32>, vector<16xi1>
          %mul3A_492 = arith.constant 4 : i32
          %mul3A_493 = arith.muli %mul3A_492, %scan3A_370 : i32
          %add3A_494 = arith.constant 2 : i32
          %add3A_495 = arith.addi %mul3A_493, %add3A_494 : i32
          %mul3A_496 = arith.constant 16 : i32
          %mul3A_497 = arith.muli %add3A_495, %mul3A_496 : i32
          %add3A_498 = vector.broadcast %mul3A_497 : i32 to vector<16xi32>
          %add3A_499 = arith.addi %iota3A, %add3A_498 : vector<16xi32>
          tpu.vector_store_idx %arg19[%min3A_491], %add3A_499 masked %and3A_485 : memref<1024xi32, #tpu.memory_space<vmem>>[vector<16xi32>], vector<16xi32>, vector<16xi1>
          %slice3A_500 = vector.extract_strided_slice %masked_cumsum3A_411 {offsets = [15], sizes = [1], strides = [1]} : vector<16xi32> to vector<1xi32>
          %squeeze3A_501 = vector.extract %slice3A_500[0] : i32 from vector<1xi32>
          %add3A_502 = arith.addi %add3A_476, %squeeze3A_501 : i32
          %add3A_503 = vector.broadcast %add3A_502 : i32 to vector<16xi32>
          %add3A_504 = arith.addi %add3A_503, %masked_cumsum3A_425 : vector<16xi32>
          %sub3A_505 = arith.constant 1 : i32
          %sub3A_506 = vector.broadcast %sub3A_505 : i32 to vector<16xi32>
          %sub3A_507 = arith.subi %add3A_504, %sub3A_506 : vector<16xi32>
          %lt3A_508 = arith.constant 1024 : i32
          %lt3A_509 = vector.broadcast %lt3A_508 : i32 to vector<16xi32>
          %lt3A_510 = arith.cmpi slt, %sub3A_507, %lt3A_509 : vector<16xi32>
          %and3A_511 = arith.andi %le3A_421, %lt3A_510 : vector<16xi1>
          %jit3A_512 = arith.constant 0 : i32
          %jit3A_513 = arith.constant 1023 : i32
          %max3A_514 = vector.broadcast %jit3A_512 : i32 to vector<16xi32>
          %max3A_515 = arith.maxsi %max3A_514, %sub3A_507 : vector<16xi32>
          %min3A_516 = vector.broadcast %jit3A_513 : i32 to vector<16xi32>
          %min3A_517 = arith.minsi %min3A_516, %max3A_515 : vector<16xi32>
          tpu.vector_store_idx %arg18[%min3A_517], %get3A_419 masked %and3A_511 : memref<1024xf32, #tpu.memory_space<vmem>>[vector<16xi32>], vector<16xf32>, vector<16xi1>
          %mul3A_518 = arith.constant 4 : i32
          %mul3A_519 = arith.muli %mul3A_518, %scan3A_370 : i32
          %add3A_520 = arith.constant 3 : i32
          %add3A_521 = arith.addi %mul3A_519, %add3A_520 : i32
          %mul3A_522 = arith.constant 16 : i32
          %mul3A_523 = arith.muli %add3A_521, %mul3A_522 : i32
          %add3A_524 = vector.broadcast %mul3A_523 : i32 to vector<16xi32>
          %add3A_525 = arith.addi %iota3A, %add3A_524 : vector<16xi32>
          tpu.vector_store_idx %arg19[%min3A_517], %add3A_525 masked %and3A_511 : memref<1024xi32, #tpu.memory_space<vmem>>[vector<16xi32>], vector<16xi32>, vector<16xi1>
          %slice3A_526 = vector.extract_strided_slice %masked_cumsum3A_425 {offsets = [15], sizes = [1], strides = [1]} : vector<16xi32> to vector<1xi32>
          %squeeze3A_527 = vector.extract %slice3A_526[0] : i32 from vector<1xi32>
          %add3A_528 = arith.addi %add3A_502, %squeeze3A_527 : i32
          scf.yield %add3A_528 : i32
        }
        %scan3A_218 = arith.constant 64 : i32
        %min3A_219 = arith.constant 1024 : i32
        %min3A_220 = arith.minsi %scan3A_217, %min3A_219 : i32
        %add3A_221 = arith.constant 15 : i32
        %add3A_222 = arith.addi %min3A_220, %add3A_221 : i32
        %shift_right_arithmetic3A_223 = arith.constant 4 : i32
        %shift_right_arithmetic3A_224 = arith.shrsi %add3A_222, %shift_right_arithmetic3A_223 : i32
        %while3A = arith.constant 0 : i32
        %while3A_225 = arith.subi %shift_right_arithmetic3A_224, %while3A : i32
        %while3A_226 = arith.addi %while3A, %while3A_225 : i32
        %while3A_227 = arith.constant 1 : i32
        %while3A_228 = arith.divsi %while3A_225, %while3A_227 : i32
        %while3A_229 = arith.muli %while3A_228, %while3A_227 : i32
        %while3A_230 = arith.addi %while3A, %while3A_229 : i32
        %while3A_231 = arith.constant 1 : i32
        %while3A_232:2 = scf.for %while3A_370 = %while3A to %while3A_230 step %while3A_231 iter_args(%while3A_371 = %broadcast_in_dim3A_187, %while3A_372 = %broadcast_in_dim3A_187) -> (vector<16xf32>, vector<16xf32>)  : i32 {
          %mul3A_373 = arith.constant 16 : i32
          %mul3A_374 = arith.muli %while3A_370, %mul3A_373 : i32
          %get3A_375 = arith.index_cast %mul3A_374 : i32 to index
          %get3A_376 = tpu.vector_load %arg18[%get3A_375] {strides = array<i32>} : memref<1024xf32, #tpu.memory_space<vmem>>, vector<16xf32>,
          %mul3A_377 = arith.constant 16 : i32
          %mul3A_378 = arith.muli %while3A_370, %mul3A_377 : i32
          %add3A_379 = vector.broadcast %mul3A_378 : i32 to vector<16xi32>
          %add3A_380 = arith.addi %iota3A, %add3A_379 : vector<16xi32>
          %lt3A_381 = vector.broadcast %min3A_220 : i32 to vector<16xi32>
          %lt3A_382 = arith.cmpi slt, %add3A_380, %lt3A_381 : vector<16xi32>
          %select_n3A_383 = arith.select %lt3A_382, %get3A_376, %broadcast_in_dim3A_187 : vector<16xi1>, vector<16xf32>
          %max3A_384 = arith.maximumf %while3A_371, %select_n3A_383 : vector<16xf32>
          %min3A_385 = arith.minimumf %while3A_372, %max3A_384 : vector<16xf32>
          %min3A_386 = arith.minimumf %while3A_371, %select_n3A_383 : vector<16xf32>
          scf.yield %min3A_386, %min3A_385 : vector<16xf32>, vector<16xf32>
        }
        %while3A_233 = arith.constant 1 : i32
        %while3A_234:2 = scf.for %while3A_370 = %while3A_230 to %while3A_226 step %while3A_233 iter_args(%while3A_371 = %while3A_232#0, %while3A_372 = %while3A_232#1) -> (vector<16xf32>, vector<16xf32>)  : i32 {
          %mul3A_373 = arith.constant 16 : i32
          %mul3A_374 = arith.muli %while3A_370, %mul3A_373 : i32
          %get3A_375 = arith.index_cast %mul3A_374 : i32 to index
          %get3A_376 = tpu.vector_load %arg18[%get3A_375] {strides = array<i32>} : memref<1024xf32, #tpu.memory_space<vmem>>, vector<16xf32>,
          %mul3A_377 = arith.constant 16 : i32
          %mul3A_378 = arith.muli %while3A_370, %mul3A_377 : i32
          %add3A_379 = vector.broadcast %mul3A_378 : i32 to vector<16xi32>
          %add3A_380 = arith.addi %iota3A, %add3A_379 : vector<16xi32>
          %lt3A_381 = vector.broadcast %min3A_220 : i32 to vector<16xi32>
          %lt3A_382 = arith.cmpi slt, %add3A_380, %lt3A_381 : vector<16xi32>
          %select_n3A_383 = arith.select %lt3A_382, %get3A_376, %broadcast_in_dim3A_187 : vector<16xi1>, vector<16xf32>
          %max3A_384 = arith.maximumf %while3A_371, %select_n3A_383 : vector<16xf32>
          %min3A_385 = arith.minimumf %while3A_372, %max3A_384 : vector<16xf32>
          %min3A_386 = arith.minimumf %while3A_371, %select_n3A_383 : vector<16xf32>
          scf.yield %min3A_386, %min3A_385 : vector<16xf32>, vector<16xf32>
        }
        %reduce_max3A_235 = arith.constant true
        %reduce_max3A_236 = vector.broadcast %reduce_max3A_235 : i1 to vector<16xi1>
        %reduce_max3A_237 = tpu.scan <max>, %while3A_234#1 masked %reduce_max3A_236 : vector<16xf32>, vector<16xi1> -> vector<16xf32>
        %reduce_max3A_238 = vector.extract %reduce_max3A_237[15] : f32 from vector<16xf32>
        %while3A_239 = arith.constant 0 : i32
        %while3A_240 = arith.constant 0 : i32
        %while3A_241 = arith.subi %shift_right_arithmetic3A_224, %while3A_239 : i32
        %while3A_242 = arith.addi %while3A_239, %while3A_241 : i32
        %while3A_243 = arith.constant 1 : i32
        %while3A_244 = arith.divsi %while3A_241, %while3A_243 : i32
        %while3A_245 = arith.muli %while3A_244, %while3A_243 : i32
        %while3A_246 = arith.addi %while3A_239, %while3A_245 : i32
        %while3A_247 = arith.constant 1 : i32
        %while3A_248 = scf.for %while3A_370 = %while3A_239 to %while3A_246 step %while3A_247 iter_args(%while3A_371 = %while3A_240) -> (i32)  : i32 {
          %mul3A_372 = arith.constant 16 : i32
          %mul3A_373 = arith.muli %while3A_370, %mul3A_372 : i32
          %get3A_374 = arith.index_cast %mul3A_373 : i32 to index
          %get3A_375 = tpu.vector_load %arg18[%get3A_374] {strides = array<i32>} : memref<1024xf32, #tpu.memory_space<vmem>>, vector<16xf32>,
          %get3A_376 = arith.index_cast %mul3A_373 : i32 to index
          %get3A_377 = tpu.vector_load %arg19[%get3A_376] {strides = array<i32>} : memref<1024xi32, #tpu.memory_space<vmem>>, vector<16xi32>,
          %le3A = vector.broadcast %reduce_max3A_238 : f32 to vector<16xf32>
          %le3A_378 = arith.cmpf ole, %get3A_375, %le3A : vector<16xf32>
          %mul3A_379 = arith.constant 16 : i32
          %mul3A_380 = arith.muli %while3A_370, %mul3A_379 : i32
          %add3A_381 = vector.broadcast %mul3A_380 : i32 to vector<16xi32>
          %add3A_382 = arith.addi %iota3A, %add3A_381 : vector<16xi32>
          %lt3A_383 = vector.broadcast %min3A_220 : i32 to vector<16xi32>
          %lt3A_384 = arith.cmpi slt, %add3A_382, %lt3A_383 : vector<16xi32>
          %and3A_385 = arith.andi %le3A_378, %lt3A_384 : vector<16xi1>
          %convert_element_type3A_386 = arith.extui %and3A_385 : vector<16xi1> to vector<16xi32>
          %broadcast_in_dim3A_387 = arith.constant true
          %broadcast_in_dim3A_388 = vector.broadcast %broadcast_in_dim3A_387 : i1 to vector<16xi1>
          %masked_cumsum3A = tpu.scan <sum>, %convert_element_type3A_386 masked %broadcast_in_dim3A_388 : vector<16xi32>, vector<16xi1> -> vector<16xi32>
          %add3A_389 = vector.broadcast %while3A_371 : i32 to vector<16xi32>
          %add3A_390 = arith.addi %add3A_389, %masked_cumsum3A : vector<16xi32>
          %sub3A_391 = arith.constant 1 : i32
          %sub3A_392 = vector.broadcast %sub3A_391 : i32 to vector<16xi32>
          %sub3A_393 = arith.subi %add3A_390, %sub3A_392 : vector<16xi32>
          %jit3A = arith.constant 0 : i32
          %jit3A_394 = arith.constant 1023 : i32
          %max3A_395 = vector.broadcast %jit3A : i32 to vector<16xi32>
          %max3A_396 = arith.maxsi %max3A_395, %sub3A_393 : vector<16xi32>
          %min3A_397 = vector.broadcast %jit3A_394 : i32 to vector<16xi32>
          %min3A_398 = arith.minsi %min3A_397, %max3A_396 : vector<16xi32>
          tpu.vector_store_idx %arg18[%min3A_398], %get3A_375 masked %and3A_385 : memref<1024xf32, #tpu.memory_space<vmem>>[vector<16xi32>], vector<16xf32>, vector<16xi1>
          tpu.vector_store_idx %arg19[%min3A_398], %get3A_377 masked %and3A_385 : memref<1024xi32, #tpu.memory_space<vmem>>[vector<16xi32>], vector<16xi32>, vector<16xi1>
          %slice3A_399 = vector.extract_strided_slice %masked_cumsum3A {offsets = [15], sizes = [1], strides = [1]} : vector<16xi32> to vector<1xi32>
          %squeeze3A_400 = vector.extract %slice3A_399[0] : i32 from vector<1xi32>
          %add3A_401 = arith.addi %while3A_371, %squeeze3A_400 : i32
          scf.yield %add3A_401 : i32
        }
        %while3A_249 = arith.constant 1 : i32
        %while3A_250 = scf.for %while3A_370 = %while3A_246 to %while3A_242 step %while3A_249 iter_args(%while3A_371 = %while3A_248) -> (i32)  : i32 {
          %mul3A_372 = arith.constant 16 : i32
          %mul3A_373 = arith.muli %while3A_370, %mul3A_372 : i32
          %get3A_374 = arith.index_cast %mul3A_373 : i32 to index
          %get3A_375 = tpu.vector_load %arg18[%get3A_374] {strides = array<i32>} : memref<1024xf32, #tpu.memory_space<vmem>>, vector<16xf32>,
          %get3A_376 = arith.index_cast %mul3A_373 : i32 to index
          %get3A_377 = tpu.vector_load %arg19[%get3A_376] {strides = array<i32>} : memref<1024xi32, #tpu.memory_space<vmem>>, vector<16xi32>,
          %le3A = vector.broadcast %reduce_max3A_238 : f32 to vector<16xf32>
          %le3A_378 = arith.cmpf ole, %get3A_375, %le3A : vector<16xf32>
          %mul3A_379 = arith.constant 16 : i32
          %mul3A_380 = arith.muli %while3A_370, %mul3A_379 : i32
          %add3A_381 = vector.broadcast %mul3A_380 : i32 to vector<16xi32>
          %add3A_382 = arith.addi %iota3A, %add3A_381 : vector<16xi32>
          %lt3A_383 = vector.broadcast %min3A_220 : i32 to vector<16xi32>
          %lt3A_384 = arith.cmpi slt, %add3A_382, %lt3A_383 : vector<16xi32>
          %and3A_385 = arith.andi %le3A_378, %lt3A_384 : vector<16xi1>
          %convert_element_type3A_386 = arith.extui %and3A_385 : vector<16xi1> to vector<16xi32>
          %broadcast_in_dim3A_387 = arith.constant true
          %broadcast_in_dim3A_388 = vector.broadcast %broadcast_in_dim3A_387 : i1 to vector<16xi1>
          %masked_cumsum3A = tpu.scan <sum>, %convert_element_type3A_386 masked %broadcast_in_dim3A_388 : vector<16xi32>, vector<16xi1> -> vector<16xi32>
          %add3A_389 = vector.broadcast %while3A_371 : i32 to vector<16xi32>
          %add3A_390 = arith.addi %add3A_389, %masked_cumsum3A : vector<16xi32>
          %sub3A_391 = arith.constant 1 : i32
          %sub3A_392 = vector.broadcast %sub3A_391 : i32 to vector<16xi32>
          %sub3A_393 = arith.subi %add3A_390, %sub3A_392 : vector<16xi32>
          %jit3A = arith.constant 0 : i32
          %jit3A_394 = arith.constant 1023 : i32
          %max3A_395 = vector.broadcast %jit3A : i32 to vector<16xi32>
          %max3A_396 = arith.maxsi %max3A_395, %sub3A_393 : vector<16xi32>
          %min3A_397 = vector.broadcast %jit3A_394 : i32 to vector<16xi32>
          %min3A_398 = arith.minsi %min3A_397, %max3A_396 : vector<16xi32>
          tpu.vector_store_idx %arg18[%min3A_398], %get3A_375 masked %and3A_385 : memref<1024xf32, #tpu.memory_space<vmem>>[vector<16xi32>], vector<16xf32>, vector<16xi1>
          tpu.vector_store_idx %arg19[%min3A_398], %get3A_377 masked %and3A_385 : memref<1024xi32, #tpu.memory_space<vmem>>[vector<16xi32>], vector<16xi32>, vector<16xi1>
          %slice3A_399 = vector.extract_strided_slice %masked_cumsum3A {offsets = [15], sizes = [1], strides = [1]} : vector<16xi32> to vector<1xi32>
          %squeeze3A_400 = vector.extract %slice3A_399[0] : i32 from vector<1xi32>
          %add3A_401 = arith.addi %while3A_371, %squeeze3A_400 : i32
          scf.yield %add3A_401 : i32
        }
        %add3A_251 = arith.constant 15 : i32
        %add3A_252 = arith.addi %while3A_250, %add3A_251 : i32
        %shift_right_arithmetic3A_253 = arith.constant 4 : i32
        %shift_right_arithmetic3A_254 = arith.shrsi %add3A_252, %shift_right_arithmetic3A_253 : i32
        %get3A_255 = arith.constant 0 : index
        %get3A_256 = tpu.vector_load %arg18[%get3A_255] {strides = array<i32>} : memref<1024xf32, #tpu.memory_space<vmem>>, vector<16xf32>,
        %add3A_257 = arith.constant 0 : i32
        %add3A_258 = vector.broadcast %add3A_257 : i32 to vector<16xi32>
        %add3A_259 = arith.addi %iota3A, %add3A_258 : vector<16xi32>
        %lt3A = vector.broadcast %while3A_250 : i32 to vector<16xi32>
        %lt3A_260 = arith.cmpi slt, %add3A_259, %lt3A : vector<16xi32>
        %select_n3A_261 = arith.select %lt3A_260, %get3A_256, %broadcast_in_dim3A_187 : vector<16xi1>, vector<16xf32>
        %get3A_262 = arith.constant 16 : index
        %get3A_263 = tpu.vector_load %arg18[%get3A_262] {strides = array<i32>} : memref<1024xf32, #tpu.memory_space<vmem>>, vector<16xf32>,
        %add3A_264 = arith.constant 16 : i32
        %add3A_265 = vector.broadcast %add3A_264 : i32 to vector<16xi32>
        %add3A_266 = arith.addi %iota3A, %add3A_265 : vector<16xi32>
        %lt3A_267 = vector.broadcast %while3A_250 : i32 to vector<16xi32>
        %lt3A_268 = arith.cmpi slt, %add3A_266, %lt3A_267 : vector<16xi32>
        %select_n3A_269 = arith.select %lt3A_268, %get3A_263, %broadcast_in_dim3A_187 : vector<16xi1>, vector<16xf32>
        %get3A_270 = arith.constant 32 : index
        %get3A_271 = tpu.vector_load %arg18[%get3A_270] {strides = array<i32>} : memref<1024xf32, #tpu.memory_space<vmem>>, vector<16xf32>,
        %add3A_272 = arith.constant 32 : i32
        %add3A_273 = vector.broadcast %add3A_272 : i32 to vector<16xi32>
        %add3A_274 = arith.addi %iota3A, %add3A_273 : vector<16xi32>
        %lt3A_275 = vector.broadcast %while3A_250 : i32 to vector<16xi32>
        %lt3A_276 = arith.cmpi slt, %add3A_274, %lt3A_275 : vector<16xi32>
        %select_n3A_277 = arith.select %lt3A_276, %get3A_271, %broadcast_in_dim3A_187 : vector<16xi1>, vector<16xf32>
        %get3A_278 = arith.constant 48 : index
        %get3A_279 = tpu.vector_load %arg18[%get3A_278] {strides = array<i32>} : memref<1024xf32, #tpu.memory_space<vmem>>, vector<16xf32>,
        %add3A_280 = arith.constant 48 : i32
        %add3A_281 = vector.broadcast %add3A_280 : i32 to vector<16xi32>
        %add3A_282 = arith.addi %iota3A, %add3A_281 : vector<16xi32>
        %lt3A_283 = vector.broadcast %while3A_250 : i32 to vector<16xi32>
        %lt3A_284 = arith.cmpi slt, %add3A_282, %lt3A_283 : vector<16xi32>
        %select_n3A_285 = arith.select %lt3A_284, %get3A_279, %broadcast_in_dim3A_187 : vector<16xi1>, vector<16xf32>
        %get3A_286 = arith.constant 64 : index
        %get3A_287 = tpu.vector_load %arg18[%get3A_286] {strides = array<i32>} : memref<1024xf32, #tpu.memory_space<vmem>>, vector<16xf32>,
        %add3A_288 = arith.constant 64 : i32
        %add3A_289 = vector.broadcast %add3A_288 : i32 to vector<16xi32>
        %add3A_290 = arith.addi %iota3A, %add3A_289 : vector<16xi32>
        %lt3A_291 = vector.broadcast %while3A_250 : i32 to vector<16xi32>
        %lt3A_292 = arith.cmpi slt, %add3A_290, %lt3A_291 : vector<16xi32>
        %select_n3A_293 = arith.select %lt3A_292, %get3A_287, %broadcast_in_dim3A_187 : vector<16xi1>, vector<16xf32>
        %get3A_294 = arith.constant 80 : index
        %get3A_295 = tpu.vector_load %arg18[%get3A_294] {strides = array<i32>} : memref<1024xf32, #tpu.memory_space<vmem>>, vector<16xf32>,
        %add3A_296 = arith.constant 80 : i32
        %add3A_297 = vector.broadcast %add3A_296 : i32 to vector<16xi32>
        %add3A_298 = arith.addi %iota3A, %add3A_297 : vector<16xi32>
        %lt3A_299 = vector.broadcast %while3A_250 : i32 to vector<16xi32>
        %lt3A_300 = arith.cmpi slt, %add3A_298, %lt3A_299 : vector<16xi32>
        %select_n3A_301 = arith.select %lt3A_300, %get3A_295, %broadcast_in_dim3A_187 : vector<16xi1>, vector<16xf32>
        %get3A_302 = arith.constant 96 : index
        %get3A_303 = tpu.vector_load %arg18[%get3A_302] {strides = array<i32>} : memref<1024xf32, #tpu.memory_space<vmem>>, vector<16xf32>,
        %add3A_304 = arith.constant 96 : i32
        %add3A_305 = vector.broadcast %add3A_304 : i32 to vector<16xi32>
        %add3A_306 = arith.addi %iota3A, %add3A_305 : vector<16xi32>
        %lt3A_307 = vector.broadcast %while3A_250 : i32 to vector<16xi32>
        %lt3A_308 = arith.cmpi slt, %add3A_306, %lt3A_307 : vector<16xi32>
        %select_n3A_309 = arith.select %lt3A_308, %get3A_303, %broadcast_in_dim3A_187 : vector<16xi1>, vector<16xf32>
        %get3A_310 = arith.constant 112 : index
        %get3A_311 = tpu.vector_load %arg18[%get3A_310] {strides = array<i32>} : memref<1024xf32, #tpu.memory_space<vmem>>, vector<16xf32>,
        %add3A_312 = arith.constant 112 : i32
        %add3A_313 = vector.broadcast %add3A_312 : i32 to vector<16xi32>
        %add3A_314 = arith.addi %iota3A, %add3A_313 : vector<16xi32>
        %lt3A_315 = vector.broadcast %while3A_250 : i32 to vector<16xi32>
        %lt3A_316 = arith.cmpi slt, %add3A_314, %lt3A_315 : vector<16xi32>
        %select_n3A_317 = arith.select %lt3A_316, %get3A_311, %broadcast_in_dim3A_187 : vector<16xi1>, vector<16xf32>
        %bitcast_convert_type3A = arith.bitcast %reduce_min3A_208 : f32 to i32
        %bitcast_convert_type3A_318 = arith.bitcast %reduce_max3A_238 : f32 to i32
        %scan3A_319 = arith.constant 0 : i32
        %scan3A_320 = arith.constant 31 : i32
        %scan3A_321 = arith.addi %scan3A_319, %scan3A_320 : i32
        %scan3A_322 = arith.constant 1 : i32
        %scan3A_323:2 = scf.for %scan3A_370 = %scan3A_319 to %scan3A_321 step %scan3A_322 iter_args(%scan3A_371 = %bitcast_convert_type3A, %scan3A_372 = %bitcast_convert_type3A_318) -> (i32, i32)  : i32 {
          %sub3A_373 = arith.subi %scan3A_372, %scan3A_371 : i32
          %shift_right_arithmetic3A_374 = arith.constant 1 : i32
          %shift_right_arithmetic3A_375 = arith.shrsi %sub3A_373, %shift_right_arithmetic3A_374 : i32
          %add3A_376 = arith.addi %scan3A_371, %shift_right_arithmetic3A_375 : i32
          %bitcast_convert_type3A_377 = arith.bitcast %add3A_376 : i32 to f32
          %le3A = vector.broadcast %bitcast_convert_type3A_377 : f32 to vector<16xf32>
          %le3A_378 = arith.cmpf ole, %select_n3A_261, %le3A : vector<16xf32>
          %all_reduce_population_count3A = tpu.all_reduce %le3A_378 {dim = 0 : i64, kind = #tpu.reduction_kind<sum>} : vector<16xi1> -> vector<16xi32>
          %slice3A_379 = vector.extract_strided_slice %all_reduce_population_count3A {offsets = [0], sizes = [1], strides = [1]} : vector<16xi32> to vector<1xi32>
          %squeeze3A_380 = vector.extract %slice3A_379[0] : i32 from vector<1xi32>
          %add3A_381 = arith.constant 0 : i32
          %add3A_382 = arith.addi %add3A_381, %squeeze3A_380 : i32
          %le3A_383 = vector.broadcast %bitcast_convert_type3A_377 : f32 to vector<16xf32>
          %le3A_384 = arith.cmpf ole, %select_n3A_269, %le3A_383 : vector<16xf32>
          %all_reduce_population_count3A_385 = tpu.all_reduce %le3A_384 {dim = 0 : i64, kind = #tpu.reduction_kind<sum>} : vector<16xi1> -> vector<16xi32>
          %slice3A_386 = vector.extract_strided_slice %all_reduce_population_count3A_385 {offsets = [0], sizes = [1], strides = [1]} : vector<16xi32> to vector<1xi32>
          %squeeze3A_387 = vector.extract %slice3A_386[0] : i32 from vector<1xi32>
          %add3A_388 = arith.addi %add3A_382, %squeeze3A_387 : i32
          %le3A_389 = vector.broadcast %bitcast_convert_type3A_377 : f32 to vector<16xf32>
          %le3A_390 = arith.cmpf ole, %select_n3A_277, %le3A_389 : vector<16xf32>
          %all_reduce_population_count3A_391 = tpu.all_reduce %le3A_390 {dim = 0 : i64, kind = #tpu.reduction_kind<sum>} : vector<16xi1> -> vector<16xi32>
          %slice3A_392 = vector.extract_strided_slice %all_reduce_population_count3A_391 {offsets = [0], sizes = [1], strides = [1]} : vector<16xi32> to vector<1xi32>
          %squeeze3A_393 = vector.extract %slice3A_392[0] : i32 from vector<1xi32>
          %add3A_394 = arith.addi %add3A_388, %squeeze3A_393 : i32
          %le3A_395 = vector.broadcast %bitcast_convert_type3A_377 : f32 to vector<16xf32>
          %le3A_396 = arith.cmpf ole, %select_n3A_285, %le3A_395 : vector<16xf32>
          %all_reduce_population_count3A_397 = tpu.all_reduce %le3A_396 {dim = 0 : i64, kind = #tpu.reduction_kind<sum>} : vector<16xi1> -> vector<16xi32>
          %slice3A_398 = vector.extract_strided_slice %all_reduce_population_count3A_397 {offsets = [0], sizes = [1], strides = [1]} : vector<16xi32> to vector<1xi32>
          %squeeze3A_399 = vector.extract %slice3A_398[0] : i32 from vector<1xi32>
          %add3A_400 = arith.addi %add3A_394, %squeeze3A_399 : i32
          %le3A_401 = vector.broadcast %bitcast_convert_type3A_377 : f32 to vector<16xf32>
          %le3A_402 = arith.cmpf ole, %select_n3A_293, %le3A_401 : vector<16xf32>
          %all_reduce_population_count3A_403 = tpu.all_reduce %le3A_402 {dim = 0 : i64, kind = #tpu.reduction_kind<sum>} : vector<16xi1> -> vector<16xi32>
          %slice3A_404 = vector.extract_strided_slice %all_reduce_population_count3A_403 {offsets = [0], sizes = [1], strides = [1]} : vector<16xi32> to vector<1xi32>
          %squeeze3A_405 = vector.extract %slice3A_404[0] : i32 from vector<1xi32>
          %add3A_406 = arith.addi %add3A_400, %squeeze3A_405 : i32
          %le3A_407 = vector.broadcast %bitcast_convert_type3A_377 : f32 to vector<16xf32>
          %le3A_408 = arith.cmpf ole, %select_n3A_301, %le3A_407 : vector<16xf32>
          %all_reduce_population_count3A_409 = tpu.all_reduce %le3A_408 {dim = 0 : i64, kind = #tpu.reduction_kind<sum>} : vector<16xi1> -> vector<16xi32>
          %slice3A_410 = vector.extract_strided_slice %all_reduce_population_count3A_409 {offsets = [0], sizes = [1], strides = [1]} : vector<16xi32> to vector<1xi32>
          %squeeze3A_411 = vector.extract %slice3A_410[0] : i32 from vector<1xi32>
          %add3A_412 = arith.addi %add3A_406, %squeeze3A_411 : i32
          %le3A_413 = vector.broadcast %bitcast_convert_type3A_377 : f32 to vector<16xf32>
          %le3A_414 = arith.cmpf ole, %select_n3A_309, %le3A_413 : vector<16xf32>
          %all_reduce_population_count3A_415 = tpu.all_reduce %le3A_414 {dim = 0 : i64, kind = #tpu.reduction_kind<sum>} : vector<16xi1> -> vector<16xi32>
          %slice3A_416 = vector.extract_strided_slice %all_reduce_population_count3A_415 {offsets = [0], sizes = [1], strides = [1]} : vector<16xi32> to vector<1xi32>
          %squeeze3A_417 = vector.extract %slice3A_416[0] : i32 from vector<1xi32>
          %add3A_418 = arith.addi %add3A_412, %squeeze3A_417 : i32
          %le3A_419 = vector.broadcast %bitcast_convert_type3A_377 : f32 to vector<16xf32>
          %le3A_420 = arith.cmpf ole, %select_n3A_317, %le3A_419 : vector<16xf32>
          %all_reduce_population_count3A_421 = tpu.all_reduce %le3A_420 {dim = 0 : i64, kind = #tpu.reduction_kind<sum>} : vector<16xi1> -> vector<16xi32>
          %slice3A_422 = vector.extract_strided_slice %all_reduce_population_count3A_421 {offsets = [0], sizes = [1], strides = [1]} : vector<16xi32> to vector<1xi32>
          %squeeze3A_423 = vector.extract %slice3A_422[0] : i32 from vector<1xi32>
          %add3A_424 = arith.addi %add3A_418, %squeeze3A_423 : i32
          %ge3A = arith.constant 32 : i32
          %ge3A_425 = arith.cmpi sge, %add3A_424, %ge3A : i32
          %ge3A_426 = arith.cmpi sge, %scan3A_371, %scan3A_372 : i32
          %or3A = arith.ori %ge3A_426, %ge3A_425 : i1
          %add3A_427 = arith.constant 1 : i32
          %add3A_428 = arith.addi %add3A_376, %add3A_427 : i32
          %select_n3A_429 = arith.select %or3A, %scan3A_371, %add3A_428 : i32
          %not3A = arith.constant true
          %not3A_430 = arith.xori %ge3A_425, %not3A : i1
          %or3A_431 = arith.ori %ge3A_426, %not3A_430 : i1
          %select_n3A_432 = arith.select %or3A_431, %scan3A_372, %add3A_376 : i32
          scf.yield %select_n3A_429, %select_n3A_432 : i32, i32
        }
        %scan3A_324 = arith.constant 31 : i32
        %bitcast_convert_type3A_325 = arith.bitcast %scan3A_323#0 : i32 to f32
        %broadcast_in_dim3A_326 = arith.constant 0.000000e+00 : f32
        %broadcast_in_dim3A_327 = vector.broadcast %broadcast_in_dim3A_326 : f32 to vector<16xf32>
        %broadcast_in_dim3A_328 = arith.constant 0 : i32
        %broadcast_in_dim3A_329 = vector.broadcast %broadcast_in_dim3A_328 : i32 to vector<16xi32>
        %while3A_330 = arith.constant 0 : i32
        %while3A_331 = arith.subi %shift_right_arithmetic3A_254, %while3A_330 : i32
        %while3A_332 = arith.addi %while3A_330, %while3A_331 : i32
        %while3A_333 = arith.constant 1 : i32
        %while3A_334 = arith.divsi %while3A_331, %while3A_333 : i32
        %while3A_335 = arith.muli %while3A_334, %while3A_333 : i32
        %while3A_336 = arith.addi %while3A_330, %while3A_335 : i32
        %while3A_337 = arith.constant 1 : i32
        %while3A_338:4 = scf.for %while3A_370 = %while3A_330 to %while3A_336 step %while3A_337 iter_args(%while3A_371 = %broadcast_in_dim3A_327, %while3A_372 = %broadcast_in_dim3A_327, %while3A_373 = %broadcast_in_dim3A_327, %while3A_374 = %broadcast_in_dim3A_327) -> (vector<16xf32>, vector<16xf32>, vector<16xf32>, vector<16xf32>)  : i32 {
          %mul3A_375 = arith.constant 16 : i32
          %mul3A_376 = arith.muli %while3A_370, %mul3A_375 : i32
          %get3A_377 = arith.index_cast %mul3A_376 : i32 to index
          %get3A_378 = tpu.vector_load %arg18[%get3A_377] {strides = array<i32>} : memref<1024xf32, #tpu.memory_space<vmem>>, vector<16xf32>,
          %get3A_379 = arith.index_cast %mul3A_376 : i32 to index
          %get3A_380 = tpu.vector_load %arg19[%get3A_379] {strides = array<i32>} : memref<1024xi32, #tpu.memory_space<vmem>>, vector<16xi32>,
          %le3A = vector.broadcast %bitcast_convert_type3A_325 : f32 to vector<16xf32>
          %le3A_381 = arith.cmpf ole, %get3A_378, %le3A : vector<16xf32>
          %mul3A_382 = arith.constant 16 : i32
          %mul3A_383 = arith.muli %while3A_370, %mul3A_382 : i32
          %add3A_384 = vector.broadcast %mul3A_383 : i32 to vector<16xi32>
          %add3A_385 = arith.addi %iota3A, %add3A_384 : vector<16xi32>
          %lt3A_386 = vector.broadcast %while3A_250 : i32 to vector<16xi32>
          %lt3A_387 = arith.cmpi slt, %add3A_385, %lt3A_386 : vector<16xi32>
          %and3A_388 = arith.andi %le3A_381, %lt3A_387 : vector<16xi1>
          %select_n3A_389 = arith.select %and3A_388, %get3A_380, %broadcast_in_dim3A_329 : vector<16xi1>, vector<16xi32>
          %gather3A_390 = tpu.vector_load_idx %arg9[%select_n3A_389] : memref<4096xf32, #tpu.memory_space<vmem>>[vector<16xi32>], vector<16xf32>,
          %sub3A_391 = arith.subf %gather3A_390, %gather3A : vector<16xf32>
          %gather3A_392 = tpu.vector_load_idx %arg10[%select_n3A_389] : memref<4096xf32, #tpu.memory_space<vmem>>[vector<16xi32>], vector<16xf32>,
          %sub3A_393 = arith.subf %gather3A_392, %gather3A_134 : vector<16xf32>
          %gather3A_394 = tpu.vector_load_idx %arg11[%select_n3A_389] : memref<4096xf32, #tpu.memory_space<vmem>>[vector<16xi32>], vector<16xf32>,
          %sub3A_395 = arith.subf %gather3A_394, %gather3A_138 : vector<16xf32>
          %mul3A_396 = arith.mulf %sub3A_391, %sub3A_391 : vector<16xf32>
          %mul3A_397 = arith.mulf %sub3A_393, %sub3A_393 : vector<16xf32>
          %add3A_398 = arith.addf %mul3A_396, %mul3A_397 : vector<16xf32>
          %mul3A_399 = arith.mulf %sub3A_395, %sub3A_395 : vector<16xf32>
          %add3A_400 = arith.addf %add3A_398, %mul3A_399 : vector<16xf32>
          %le3A_401 = arith.constant 8.100000e+03 : f32
          %le3A_402 = vector.broadcast %le3A_401 : f32 to vector<16xf32>
          %le3A_403 = arith.cmpf ole, %add3A_400, %le3A_402 : vector<16xf32>
          %and3A_404 = arith.andi %and3A_388, %le3A_403 : vector<16xi1>
          %mul3A_405 = arith.constant -5.55555569E-4 : f32
          %mul3A_406 = vector.broadcast %mul3A_405 : f32 to vector<16xf32>
          %mul3A_407 = arith.mulf %add3A_400, %mul3A_406 : vector<16xf32>
          %exp3A = math.exp %mul3A_407 : vector<16xf32>
          %select_n3A_408 = arith.select %and3A_404, %exp3A, %broadcast_in_dim3A_327 : vector<16xi1>, vector<16xf32>
          %gather3A_409 = tpu.vector_load_idx %arg14[%select_n3A_389] : memref<4096xf32, #tpu.memory_space<vmem>>[vector<16xi32>], vector<16xf32>,
          %gather3A_410 = tpu.vector_load_idx %arg15[%select_n3A_389] : memref<4096xf32, #tpu.memory_space<vmem>>[vector<16xi32>], vector<16xf32>,
          %gather3A_411 = tpu.vector_load_idx %arg16[%select_n3A_389] : memref<4096xf32, #tpu.memory_space<vmem>>[vector<16xi32>], vector<16xf32>,
          %add3A_412 = arith.addf %while3A_371, %select_n3A_408 : vector<16xf32>
          %mul3A_413 = arith.mulf %select_n3A_408, %gather3A_409 : vector<16xf32>
          %add3A_414 = arith.addf %while3A_372, %mul3A_413 : vector<16xf32>
          %mul3A_415 = arith.mulf %select_n3A_408, %gather3A_410 : vector<16xf32>
          %add3A_416 = arith.addf %while3A_373, %mul3A_415 : vector<16xf32>
          %mul3A_417 = arith.mulf %select_n3A_408, %gather3A_411 : vector<16xf32>
          %add3A_418 = arith.addf %while3A_374, %mul3A_417 : vector<16xf32>
          scf.yield %add3A_412, %add3A_414, %add3A_416, %add3A_418 : vector<16xf32>, vector<16xf32>, vector<16xf32>, vector<16xf32>
        }
        %while3A_339 = arith.constant 1 : i32
        %while3A_340:4 = scf.for %while3A_370 = %while3A_336 to %while3A_332 step %while3A_339 iter_args(%while3A_371 = %while3A_338#0, %while3A_372 = %while3A_338#1, %while3A_373 = %while3A_338#2, %while3A_374 = %while3A_338#3) -> (vector<16xf32>, vector<16xf32>, vector<16xf32>, vector<16xf32>)  : i32 {
          %mul3A_375 = arith.constant 16 : i32
          %mul3A_376 = arith.muli %while3A_370, %mul3A_375 : i32
          %get3A_377 = arith.index_cast %mul3A_376 : i32 to index
          %get3A_378 = tpu.vector_load %arg18[%get3A_377] {strides = array<i32>} : memref<1024xf32, #tpu.memory_space<vmem>>, vector<16xf32>,
          %get3A_379 = arith.index_cast %mul3A_376 : i32 to index
          %get3A_380 = tpu.vector_load %arg19[%get3A_379] {strides = array<i32>} : memref<1024xi32, #tpu.memory_space<vmem>>, vector<16xi32>,
          %le3A = vector.broadcast %bitcast_convert_type3A_325 : f32 to vector<16xf32>
          %le3A_381 = arith.cmpf ole, %get3A_378, %le3A : vector<16xf32>
          %mul3A_382 = arith.constant 16 : i32
          %mul3A_383 = arith.muli %while3A_370, %mul3A_382 : i32
          %add3A_384 = vector.broadcast %mul3A_383 : i32 to vector<16xi32>
          %add3A_385 = arith.addi %iota3A, %add3A_384 : vector<16xi32>
          %lt3A_386 = vector.broadcast %while3A_250 : i32 to vector<16xi32>
          %lt3A_387 = arith.cmpi slt, %add3A_385, %lt3A_386 : vector<16xi32>
          %and3A_388 = arith.andi %le3A_381, %lt3A_387 : vector<16xi1>
          %select_n3A_389 = arith.select %and3A_388, %get3A_380, %broadcast_in_dim3A_329 : vector<16xi1>, vector<16xi32>
          %gather3A_390 = tpu.vector_load_idx %arg9[%select_n3A_389] : memref<4096xf32, #tpu.memory_space<vmem>>[vector<16xi32>], vector<16xf32>,
          %sub3A_391 = arith.subf %gather3A_390, %gather3A : vector<16xf32>
          %gather3A_392 = tpu.vector_load_idx %arg10[%select_n3A_389] : memref<4096xf32, #tpu.memory_space<vmem>>[vector<16xi32>], vector<16xf32>,
          %sub3A_393 = arith.subf %gather3A_392, %gather3A_134 : vector<16xf32>
          %gather3A_394 = tpu.vector_load_idx %arg11[%select_n3A_389] : memref<4096xf32, #tpu.memory_space<vmem>>[vector<16xi32>], vector<16xf32>,
          %sub3A_395 = arith.subf %gather3A_394, %gather3A_138 : vector<16xf32>
          %mul3A_396 = arith.mulf %sub3A_391, %sub3A_391 : vector<16xf32>
          %mul3A_397 = arith.mulf %sub3A_393, %sub3A_393 : vector<16xf32>
          %add3A_398 = arith.addf %mul3A_396, %mul3A_397 : vector<16xf32>
          %mul3A_399 = arith.mulf %sub3A_395, %sub3A_395 : vector<16xf32>
          %add3A_400 = arith.addf %add3A_398, %mul3A_399 : vector<16xf32>
          %le3A_401 = arith.constant 8.100000e+03 : f32
          %le3A_402 = vector.broadcast %le3A_401 : f32 to vector<16xf32>
          %le3A_403 = arith.cmpf ole, %add3A_400, %le3A_402 : vector<16xf32>
          %and3A_404 = arith.andi %and3A_388, %le3A_403 : vector<16xi1>
          %mul3A_405 = arith.constant -5.55555569E-4 : f32
          %mul3A_406 = vector.broadcast %mul3A_405 : f32 to vector<16xf32>
          %mul3A_407 = arith.mulf %add3A_400, %mul3A_406 : vector<16xf32>
          %exp3A = math.exp %mul3A_407 : vector<16xf32>
          %select_n3A_408 = arith.select %and3A_404, %exp3A, %broadcast_in_dim3A_327 : vector<16xi1>, vector<16xf32>
          %gather3A_409 = tpu.vector_load_idx %arg14[%select_n3A_389] : memref<4096xf32, #tpu.memory_space<vmem>>[vector<16xi32>], vector<16xf32>,
          %gather3A_410 = tpu.vector_load_idx %arg15[%select_n3A_389] : memref<4096xf32, #tpu.memory_space<vmem>>[vector<16xi32>], vector<16xf32>,
          %gather3A_411 = tpu.vector_load_idx %arg16[%select_n3A_389] : memref<4096xf32, #tpu.memory_space<vmem>>[vector<16xi32>], vector<16xf32>,
          %add3A_412 = arith.addf %while3A_371, %select_n3A_408 : vector<16xf32>
          %mul3A_413 = arith.mulf %select_n3A_408, %gather3A_409 : vector<16xf32>
          %add3A_414 = arith.addf %while3A_372, %mul3A_413 : vector<16xf32>
          %mul3A_415 = arith.mulf %select_n3A_408, %gather3A_410 : vector<16xf32>
          %add3A_416 = arith.addf %while3A_373, %mul3A_415 : vector<16xf32>
          %mul3A_417 = arith.mulf %select_n3A_408, %gather3A_411 : vector<16xf32>
          %add3A_418 = arith.addf %while3A_374, %mul3A_417 : vector<16xf32>
          scf.yield %add3A_412, %add3A_414, %add3A_416, %add3A_418 : vector<16xf32>, vector<16xf32>, vector<16xf32>, vector<16xf32>
        }
        %reduce_sum3A = arith.constant true
        %reduce_sum3A_341 = vector.broadcast %reduce_sum3A : i1 to vector<16xi1>
        %reduce_sum3A_342 = tpu.scan <sum>, %while3A_340#0 masked %reduce_sum3A_341 : vector<16xf32>, vector<16xi1> -> vector<16xf32>
        %reduce_sum3A_343 = vector.extract %reduce_sum3A_342[15] : f32 from vector<16xf32>
        %add3A_344 = arith.constant 9.99999993E-9 : f32
        %add3A_345 = arith.addf %reduce_sum3A_343, %add3A_344 : f32
        %broadcast_in_dim3A_346 = vector.broadcast %add3A_345 : f32 to vector<16xf32>
        %broadcast_in_dim3A_347 = arith.constant 1.000000e+00 : f32
        %broadcast_in_dim3A_348 = vector.broadcast %broadcast_in_dim3A_347 : f32 to vector<16xf32>
        %div3A = arith.divf %broadcast_in_dim3A_348, %broadcast_in_dim3A_346 : vector<16xf32>
        %reduce_sum3A_349 = arith.constant true
        %reduce_sum3A_350 = vector.broadcast %reduce_sum3A_349 : i1 to vector<16xi1>
        %reduce_sum3A_351 = tpu.scan <sum>, %while3A_340#1 masked %reduce_sum3A_350 : vector<16xf32>, vector<16xi1> -> vector<16xf32>
        %reduce_sum3A_352 = vector.extract %reduce_sum3A_351[15] : f32 from vector<16xf32>
        %mul3A_353 = vector.broadcast %reduce_sum3A_352 : f32 to vector<16xf32>
        %mul3A_354 = arith.mulf %mul3A_353, %div3A : vector<16xf32>
        %select_n3A_355 = arith.select %eq3A_129, %mul3A_354, %scan3A_123 : vector<16xi1>, vector<16xf32>
        %reduce_sum3A_356 = arith.constant true
        %reduce_sum3A_357 = vector.broadcast %reduce_sum3A_356 : i1 to vector<16xi1>
        %reduce_sum3A_358 = tpu.scan <sum>, %while3A_340#2 masked %reduce_sum3A_357 : vector<16xf32>, vector<16xi1> -> vector<16xf32>
        %reduce_sum3A_359 = vector.extract %reduce_sum3A_358[15] : f32 from vector<16xf32>
        %mul3A_360 = vector.broadcast %reduce_sum3A_359 : f32 to vector<16xf32>
        %mul3A_361 = arith.mulf %mul3A_360, %div3A : vector<16xf32>
        %select_n3A_362 = arith.select %eq3A_129, %mul3A_361, %scan3A_124 : vector<16xi1>, vector<16xf32>
        %reduce_sum3A_363 = arith.constant true
        %reduce_sum3A_364 = vector.broadcast %reduce_sum3A_363 : i1 to vector<16xi1>
        %reduce_sum3A_365 = tpu.scan <sum>, %while3A_340#3 masked %reduce_sum3A_364 : vector<16xf32>, vector<16xi1> -> vector<16xf32>
        %reduce_sum3A_366 = vector.extract %reduce_sum3A_365[15] : f32 from vector<16xf32>
        %mul3A_367 = vector.broadcast %reduce_sum3A_366 : f32 to vector<16xf32>
        %mul3A_368 = arith.mulf %mul3A_367, %div3A : vector<16xf32>
        %select_n3A_369 = arith.select %eq3A_129, %mul3A_368, %scan3A_125 : vector<16xi1>, vector<16xf32>
        scf.yield %select_n3A_355, %select_n3A_362, %select_n3A_369 : vector<16xf32>, vector<16xf32>, vector<16xf32>
      }
      %scan3A_105 = arith.constant 16 : i32
      %mul3A_106 = arith.constant 16 : i32
      %mul3A_107 = arith.muli %scan3A_97, %mul3A_106 : i32
      %swap3A = arith.index_cast %mul3A_107 : i32 to index
      %swap3A_108 = tpu.vector_load %arg21[%swap3A] {strides = array<i32>} : memref<1536xf32, #tpu.memory_space<vmem>>, vector<16xf32>,
      tpu.vector_store %arg21[%swap3A], %scan3A_104#0 {strides = array<i32>} : memref<1536xf32, #tpu.memory_space<vmem>>, vector<16xf32>,
      %mul3A_109 = arith.constant 16 : i32
      %mul3A_110 = arith.muli %scan3A_97, %mul3A_109 : i32
      %add3A_111 = arith.constant 512 : i32
      %add3A_112 = arith.addi %add3A_111, %mul3A_110 : i32
      %swap3A_113 = arith.index_cast %add3A_112 : i32 to index
      %swap3A_114 = tpu.vector_load %arg21[%swap3A_113] {strides = array<i32>} : memref<1536xf32, #tpu.memory_space<vmem>>, vector<16xf32>,
      tpu.vector_store %arg21[%swap3A_113], %scan3A_104#1 {strides = array<i32>} : memref<1536xf32, #tpu.memory_space<vmem>>, vector<16xf32>,
      %mul3A_115 = arith.constant 16 : i32
      %mul3A_116 = arith.muli %scan3A_97, %mul3A_115 : i32
      %add3A_117 = arith.constant 1024 : i32
      %add3A_118 = arith.addi %add3A_117, %mul3A_116 : i32
      %swap3A_119 = arith.index_cast %add3A_118 : i32 to index
      %swap3A_120 = tpu.vector_load %arg21[%swap3A_119] {strides = array<i32>} : memref<1536xf32, #tpu.memory_space<vmem>>, vector<16xf32>,
      tpu.vector_store %arg21[%swap3A_119], %scan3A_104#2 {strides = array<i32>} : memref<1536xf32, #tpu.memory_space<vmem>>, vector<16xf32>,
      %scan3A_121 = arith.constant 0 : i32
      scf.yield %scan3A_121 : i32
    }
    %scan3A_90 = arith.constant 32 : i32
    %add3A_91 = arith.constant 0 : i32
    %add3A_92 = arith.addi %add3A_91, %mul3A_2 : i32
    "tpu.region"() ({
      %run_scoped3A = tpu.sem_alloc : memref<!tpu.dma_semaphore, #tpu.memory_space<semaphore_mem>>
      %dma_start3A = arith.constant 0 : i32
      %dma_start3A_97 = tpu.memref_slice %arg21[%dma_start3A] : memref<1536xf32, #tpu.memory_space<vmem>> -> memref<512xf32, #tpu.memory_space<vmem>>
      %dma_start3A_98 = tpu.memref_slice %arg6[%add3A_92] : memref<49152xf32, #tpu.memory_space<hbm>> -> memref<512xf32, #tpu.memory_space<hbm>>
      %dma_start3A_99 = tpu.memref_slice %arg6[%add3A_92] : memref<49152xf32, #tpu.memory_space<hbm>> -> memref<512xf32, #tpu.memory_space<hbm>>
      %dma_start3A_100 = arith.constant 0 : i32
      %dma_start3A_101 = tpu.memref_slice %arg21[%dma_start3A_100] : memref<1536xf32, #tpu.memory_space<vmem>> -> memref<512xf32, #tpu.memory_space<vmem>>
      tpu.enqueue_dma source(%dma_start3A_101 : memref<512xf32, #tpu.memory_space<vmem>>) target(%dma_start3A_99 : memref<512xf32, #tpu.memory_space<hbm>>) target_semaphore(%run_scoped3A : memref<!tpu.dma_semaphore, #tpu.memory_space<semaphore_mem>>)
      %dma_wait3A = arith.constant 0 : i32
      %dma_wait3A_102 = tpu.memref_slice %arg21[%dma_wait3A] : memref<1536xf32, #tpu.memory_space<vmem>> -> memref<512xf32, #tpu.memory_space<vmem>>
      %dma_wait3A_103 = tpu.memref_slice %arg6[%add3A_92] : memref<49152xf32, #tpu.memory_space<hbm>> -> memref<512xf32, #tpu.memory_space<hbm>>
      %dma_wait3A_104 = tpu.memref_slice %arg6[%add3A_92] : memref<49152xf32, #tpu.memory_space<hbm>> -> memref<512xf32, #tpu.memory_space<hbm>>
      %dma_wait3A_105 = arith.constant 0 : i32
      %dma_wait3A_106 = tpu.memref_slice %arg21[%dma_wait3A_105] : memref<1536xf32, #tpu.memory_space<vmem>> -> memref<512xf32, #tpu.memory_space<vmem>>
      tpu.wait_dma2 semaphore(%run_scoped3A : memref<!tpu.dma_semaphore, #tpu.memory_space<semaphore_mem>>) src(%dma_wait3A_106 : memref<512xf32, #tpu.memory_space<vmem>>) dst(%dma_wait3A_104 : memref<512xf32, #tpu.memory_space<hbm>>)
      tpu.yield
    }) : () -> ()
    %add3A_93 = arith.constant 16384 : i32
    %add3A_94 = arith.addi %add3A_93, %mul3A_2 : i32
    "tpu.region"() ({
      %run_scoped3A = tpu.sem_alloc : memref<!tpu.dma_semaphore, #tpu.memory_space<semaphore_mem>>
      %dma_start3A = arith.constant 512 : i32
      %dma_start3A_97 = tpu.memref_slice %arg21[%dma_start3A] : memref<1536xf32, #tpu.memory_space<vmem>> -> memref<512xf32, #tpu.memory_space<vmem>>
      %dma_start3A_98 = tpu.memref_slice %arg6[%add3A_94] : memref<49152xf32, #tpu.memory_space<hbm>> -> memref<512xf32, #tpu.memory_space<hbm>>
      %dma_start3A_99 = tpu.memref_slice %arg6[%add3A_94] : memref<49152xf32, #tpu.memory_space<hbm>> -> memref<512xf32, #tpu.memory_space<hbm>>
      %dma_start3A_100 = arith.constant 512 : i32
      %dma_start3A_101 = tpu.memref_slice %arg21[%dma_start3A_100] : memref<1536xf32, #tpu.memory_space<vmem>> -> memref<512xf32, #tpu.memory_space<vmem>>
      tpu.enqueue_dma source(%dma_start3A_101 : memref<512xf32, #tpu.memory_space<vmem>>) target(%dma_start3A_99 : memref<512xf32, #tpu.memory_space<hbm>>) target_semaphore(%run_scoped3A : memref<!tpu.dma_semaphore, #tpu.memory_space<semaphore_mem>>)
      %dma_wait3A = arith.constant 512 : i32
      %dma_wait3A_102 = tpu.memref_slice %arg21[%dma_wait3A] : memref<1536xf32, #tpu.memory_space<vmem>> -> memref<512xf32, #tpu.memory_space<vmem>>
      %dma_wait3A_103 = tpu.memref_slice %arg6[%add3A_94] : memref<49152xf32, #tpu.memory_space<hbm>> -> memref<512xf32, #tpu.memory_space<hbm>>
      %dma_wait3A_104 = tpu.memref_slice %arg6[%add3A_94] : memref<49152xf32, #tpu.memory_space<hbm>> -> memref<512xf32, #tpu.memory_space<hbm>>
      %dma_wait3A_105 = arith.constant 512 : i32
      %dma_wait3A_106 = tpu.memref_slice %arg21[%dma_wait3A_105] : memref<1536xf32, #tpu.memory_space<vmem>> -> memref<512xf32, #tpu.memory_space<vmem>>
      tpu.wait_dma2 semaphore(%run_scoped3A : memref<!tpu.dma_semaphore, #tpu.memory_space<semaphore_mem>>) src(%dma_wait3A_106 : memref<512xf32, #tpu.memory_space<vmem>>) dst(%dma_wait3A_104 : memref<512xf32, #tpu.memory_space<hbm>>)
      tpu.yield
    }) : () -> ()
    %add3A_95 = arith.constant 32768 : i32
    %add3A_96 = arith.addi %add3A_95, %mul3A_2 : i32
    "tpu.region"() ({
      %run_scoped3A = tpu.sem_alloc : memref<!tpu.dma_semaphore, #tpu.memory_space<semaphore_mem>>
      %dma_start3A = arith.constant 1024 : i32
      %dma_start3A_97 = tpu.memref_slice %arg21[%dma_start3A] : memref<1536xf32, #tpu.memory_space<vmem>> -> memref<512xf32, #tpu.memory_space<vmem>>
      %dma_start3A_98 = tpu.memref_slice %arg6[%add3A_96] : memref<49152xf32, #tpu.memory_space<hbm>> -> memref<512xf32, #tpu.memory_space<hbm>>
      %dma_start3A_99 = tpu.memref_slice %arg6[%add3A_96] : memref<49152xf32, #tpu.memory_space<hbm>> -> memref<512xf32, #tpu.memory_space<hbm>>
      %dma_start3A_100 = arith.constant 1024 : i32
      %dma_start3A_101 = tpu.memref_slice %arg21[%dma_start3A_100] : memref<1536xf32, #tpu.memory_space<vmem>> -> memref<512xf32, #tpu.memory_space<vmem>>
      tpu.enqueue_dma source(%dma_start3A_101 : memref<512xf32, #tpu.memory_space<vmem>>) target(%dma_start3A_99 : memref<512xf32, #tpu.memory_space<hbm>>) target_semaphore(%run_scoped3A : memref<!tpu.dma_semaphore, #tpu.memory_space<semaphore_mem>>)
      %dma_wait3A = arith.constant 1024 : i32
      %dma_wait3A_102 = tpu.memref_slice %arg21[%dma_wait3A] : memref<1536xf32, #tpu.memory_space<vmem>> -> memref<512xf32, #tpu.memory_space<vmem>>
      %dma_wait3A_103 = tpu.memref_slice %arg6[%add3A_96] : memref<49152xf32, #tpu.memory_space<hbm>> -> memref<512xf32, #tpu.memory_space<hbm>>
      %dma_wait3A_104 = tpu.memref_slice %arg6[%add3A_96] : memref<49152xf32, #tpu.memory_space<hbm>> -> memref<512xf32, #tpu.memory_space<hbm>>
      %dma_wait3A_105 = arith.constant 1024 : i32
      %dma_wait3A_106 = tpu.memref_slice %arg21[%dma_wait3A_105] : memref<1536xf32, #tpu.memory_space<vmem>> -> memref<512xf32, #tpu.memory_space<vmem>>
      tpu.wait_dma2 semaphore(%run_scoped3A : memref<!tpu.dma_semaphore, #tpu.memory_space<semaphore_mem>>) src(%dma_wait3A_106 : memref<512xf32, #tpu.memory_space<vmem>>) dst(%dma_wait3A_104 : memref<512xf32, #tpu.memory_space<hbm>>)
      tpu.yield
    }) : () -> ()
    return
  }
}

</mosaic_0001>

<sc_bundles>
// kernel: _run.3.cloned.1.call-start
scs
__scs_entry_jumppad:
0x0: {  	(pc) =	sbr.rel $0x88, $3  }
0x1: {  	(tag) =	ssettag $0x0;
	lr =	simm.s32 $0x1  }
0x2: {  	[smem:$0x3F9D] =	sst lr;
	_ =	strace $0xD0000000  }
0x3: {  	_ = 	snop  }
0x4: {  	_ = 	snop  }
0x5: {  	_ = 	snop  }
0x6: {  	_ = 	snop  }
0x7: {  	_ = 	snop  }
__scs_overlays_trampoline_lowered:
0x8: {  	[smem:$0x3FAC] =	sst s0  }
0x9: {  	[smem:$0x3FAD] =	sst s1  }
0xa: {  	[smem:$0x3FAE] =	sst s2  }
0xb: {  	[smem:$0x3FAF] =	sst s3  }
0xc: {  	[smem:$0x3FB0] =	sst s4  }
0xd: {  	[smem:$0x3FB1] =	sst s5  }
0xe: {  	[smem:$0x3FB2] =	sst s6  }
0xf: {  	[smem:$0x3FB3] =	sst s7  }
0x10: {  	[smem:$0x3FB4] =	sst s8  }
0x11: {  	[smem:$0x3FB5] =	sst s9;
	s0 =	simm.s32 @!p0 $0x0  }
0x12: {  	s1 =	sld [smem:$0x3F9B];
	s0 =	simm.s32 @p0 $0x1  }
0x13: {  	[smem:$0x3FB6] =	sst s0;
	s0 =	simm.s32 @!p1 $0x0  }
0x14: {  	s2 =	sld [smem:$0x3F9A];
	s0 =	simm.s32 @p1 $0x1  }
0x15: {  	[smem:$0x3FB7] =	sst s0;
	s0 =	simm.s32 @!p2 $0x0  }
0x16: {  	s3 =	sld [smem:$0x3FDB];
	s0 =	simm.s32 @p2 $0x1  }
0x17: {  	s4 =	simm.s32 $0x1BF5;
	[smem:$0x3FB9] =	sst s0  }
0x18: {  	s0 =	sld [smem:$0x3F9C];
	_ =	swait.ge [sflag:s4], $0x0  }
0x19: {  	s7 =	sld [smem:$0x3F9D]  }
0x1a: {  	s8 =	sadd.s32 $0xFFFFE003, lr  }
0x1b: {  	s9 =	sadd.s32 $0xFFFFFEF7, lr;
	s5 =	simm.s32 $0xFFFFFFFF;
	p2 =	slt.u32 s8, $0xFFFFF086  }
0x1c: {  	p1 =	slt.u32 s9, $0xF7A;
	s5 =	simm.s32 @!p2 $0x0  }
0x1d: {  	s5 =	simm.s32 @p1 $0x1;
	p0 =	seq.s32 s7, s2  }
0x1e: {  	s7 =	smul.u32 @!p0 $0xF7A, s2;
	p2 =	seq.s32 @!p0 s5, $0x0  }
0x1f: {  	s9 =	smul.u32 $0xF7A, s1;
	s8 =	simm.s32 @!p0 $0x1BF5;
	p2 =	por !p2, p0  }
0x20: {  	[sflag:s8] =	ssyncset.s32 @!p0 $0xFFFFF086;
	s6 =	sadd.s32 @!p0 s3, s7;
	s7 =	simm.s32 @!p0 $0x108  }
0x21: {  	s3 =	sadd.s32 s3, s9;
	s6 =	sadd.s32 @!p0 $0x88, s6;
	s7 =	simm.s32 @p2 $0x1082  }
0x22: {  	[simem:s7], [sflag:s8] =	dma.local @!p0 [hbm:s6], $0xF7A  }
0x23: {  	s9 =	sor.u32 $0xD0000000, s2;
	s6 =	simm.s32 $0x108;
	_ =	swait.ge @!p0 [sflag:s8], $0x0  }
0x24: {  	s3 =	sadd.s32 $0x88, s3;
	s6 =	simm.s32 @!p1 $0x1082;
	[sflag:s4] =	ssyncset.s32 $0xFFFFF086  }
0x25: {  	[simem:s6], [sflag:s4] =	dma.local [hbm:s3], $0xF7A  }
0x26: {  	[smem:$0x3F9D] =	sst s1;
	(tag) =	ssettag s2;
	_ =	strace s9  }
0x27: {  	s1 =	sld [smem:$0x3FAD]  }
0x28: {  	s2 =	sld [smem:$0x3FAE]  }
0x29: {  	s4 =	sld [smem:$0x3FB0]  }
0x2a: {  	p0 =	seq.s32 s5, $0x0;
	s5 =	sld [smem:$0x3FB1]  }
0x2b: {  	s6 =	sld [smem:$0x3FB2]  }
0x2c: {  	s7 =	sld [smem:$0x3FB3]  }
0x2d: {  	s3 =	simm.s32 $0x108;
	s8 =	sld [smem:$0x3FB4]  }
0x2e: {  	s3 =	simm.s32 @!p0 $0x1082;
	s9 =	sld [smem:$0x3FB5]  }
0x2f: {  	lr =	sadd.s32 s0, s3;
	s0 =	sld [smem:$0x3FAC]  }
0x30: {  	s3 =	sld [smem:$0x3FAF]  }
0x31: {  	[smem:$0x3FB8] =	sst s10  }
0x32: {  	s10 =	sld [smem:$0x3FB6];
	_ =	sdelay $0x3  }
0x33: {  	p0 =	seq.s32 s10, $0x1;
	s10 =	sld [smem:$0x3FB8];
	_ =	sdelay $0x3  }
0x34: {  	[smem:$0x3FB8] =	sst s10  }
0x35: {  	s10 =	sld [smem:$0x3FB7];
	_ =	sdelay $0x3  }
0x36: {  	p1 =	seq.s32 s10, $0x1;
	s10 =	sld [smem:$0x3FB8];
	_ =	sdelay $0x3  }
0x37: {  	[smem:$0x3FB8] =	sst s10  }
0x38: {  	s10 =	sld [smem:$0x3FB9]  }
0x39: {  	_ = 	snop;
	(pc) =	sbr.ind lr, $3  }
0x3a: {  	_ = 	snop  }
0x3b: {  	_ = 	snop  }
0x3c: {  	p2 =	seq.s32 s10, $0x1;
	s10 =	sld [smem:$0x3FB8]  }
0x3d: {  	_ =	shalt  }
0x3e: {  	_ =	shalt  }
0x3f: {  	_ =	shalt  }
0x40: {  	_ =	shalt  }
0x41: {  	_ =	shalt  }
0x42: {  	_ =	shalt  }
0x43: {  	_ =	shalt  }
0x44: {  	_ =	shalt  }
0x45: {  	_ =	shalt  }
0x46: {  	_ =	shalt  }
0x47: {  	_ =	shalt  }
0x48: {  	_ =	shalt  }
0x49: {  	_ =	shalt  }
0x4a: {  	_ =	shalt  }
0x4b: {  	_ =	shalt  }
0x4c: {  	_ =	shalt  }
0x4d: {  	_ =	shalt  }
0x4e: {  	_ =	shalt  }
0x4f: {  	_ =	shalt  }
0x50: {  	_ =	shalt  }
0x51: {  	_ =	shalt  }
0x52: {  	_ =	shalt  }
0x53: {  	_ =	shalt  }
0x54: {  	_ =	shalt  }
0x55: {  	_ =	shalt  }
0x56: {  	_ =	shalt  }
0x57: {  	_ =	shalt  }
0x58: {  	_ =	shalt  }
0x59: {  	_ =	shalt  }
0x5a: {  	_ =	shalt  }
0x5b: {  	_ =	shalt  }
0x5c: {  	_ =	shalt  }
0x5d: {  	_ =	shalt  }
0x5e: {  	_ =	shalt  }
0x5f: {  	_ =	shalt  }
0x60: {  	_ =	shalt  }
0x61: {  	_ =	shalt  }
0x62: {  	_ =	shalt  }
0x63: {  	_ =	shalt  }
0x64: {  	_ =	shalt  }
0x65: {  	_ =	shalt  }
0x66: {  	_ =	shalt  }
0x67: {  	_ =	shalt  }
0x68: {  	_ =	shalt  }
0x69: {  	_ =	shalt  }
0x6a: {  	_ =	shalt  }
0x6b: {  	_ =	shalt  }
0x6c: {  	_ =	shalt  }
0x6d: {  	_ =	shalt  }
0x6e: {  	_ =	shalt  }
0x6f: {  	_ =	shalt  }
0x70: {  	_ =	shalt  }
0x71: {  	_ =	shalt  }
0x72: {  	_ =	shalt  }
0x73: {  	_ =	shalt  }
0x74: {  	_ =	shalt  }
0x75: {  	_ =	shalt  }
0x76: {  	_ =	shalt  }
0x77: {  	_ =	shalt  }
0x78: {  	_ =	shalt  }
0x79: {  	_ =	shalt  }
0x7a: {  	_ =	shalt  }
0x7b: {  	_ =	shalt  }
0x7c: {  	_ =	shalt  }
0x7d: {  	_ =	shalt  }
0x7e: {  	_ =	shalt  }
0x7f: {  	_ =	shalt  }
0x80: {  	_ =	shalt  }
0x81: {  	_ =	shalt  }
0x82: {  	_ =	shalt  }
0x83: {  	_ =	shalt  }
0x84: {  	_ =	shalt  }
0x85: {  	_ =	shalt  }
0x86: {  	_ =	shalt  }
0x87: {  	_ =	shalt  }
.Lfunc_end0:
.L_simem_size_0:
called_computation_lowered:
.L_overlay_start_0:
0x88: {  	s2 =	sld [smem:$0x3FD9]  }
0x89: {  	s3 =	sld [smem:$0x3FFE];
	_ =	sdelay $0x1  }
0x8a: {  	s1 =	srdreg.scid  }
0x8b: {  	s0 =	sand.u32 $0x1, s1  }
0x8c: {  	s18 =	sshll.u32 s0, $0xA;
	s2 =	sadd.s32 s3, s2  }
0x8d: {  	s2 =	sadd.s32 s2, s18  }
0x8e: {  	[smem:$0x3FC4] =	sst s2  }
0x8f: {  	_ = 	snop  }
0x90: {  	s2 =	sld [smem:$0x3FC9]  }
0x91: {  	s19 =	sld [smem:$0x3FC8]  }
0x92: {  	s4 =	sld [smem:$0x3FC7]  }
0x93: {  	s5 =	sld [smem:$0x3FC6]  }
0x94: {  	s6 =	sld [smem:$0x3FD0];
	(tm) =	ssettm $0x1  }
0x95: {  	s7 =	sld [smem:$0x3FFB];
	_ =	sdelay $0x3  }
0x96: {  	_ =	strace s7  }
0x97: {  	s7 =	sld [smem:$0x3FFC];
	_ =	sdelay $0x3  }
0x98: {  	_ =	strace s7  }
0x99: {  	s7 =	sld [smem:$0x3FFD];
	_ =	sdelay $0x3  }
0x9a: {  	_ =	strace s7  }
0x9b: {  	_ =	strace $0x8FFFFFFF  }
0x9c: {  	s20 =	sld [smem:$0x3FDB];
	_ =	sdelay $0x1  }
0x9d: {  	s8 =	simm.s32 $_scs_section_size  }
0x9e: {  	s9 =	simm.s32 $_size__tile_overlayer_lowered;
	s10 =	simm.s32 $_tile_overlayer_lowered  }
0x9f: {  	s23 =	simm.s32 $0x1BFF;
	s22 =	sshll.u32 s10, $0x1;
	s7 =	sadd.s32 s8, s20  }
0xa0: {  	s11 =	simm.s32 $0x0;
	s21 =	sshll.u32 s9, $0x1;
	s9 =	sadd.s32 s22, s7  }
0xa1: {  	[timem:s11], [sflag:s23] =	dma.local [hbm:s9], s21  }
0xa2: {  	_ =	swait.ge [sflag:s23], s21  }
0xa3: {  	s8 =	ssub.s32 $0x0, s21;
	[sflag:s23] =	ssyncset.done $0x0  }
0xa4: {  	[sflag:s23] =	ssyncadd.s32 s8;
	_ =	sdelay $0x1  }
0xa5: {  	s24 =	simm.s32 $0x1B8B  }
0xa6: {  	_ =	swait.ge [sflag:s24], $0x1  }
0xa7: {  	[sflag:s24] =	ssyncset.done $0x0  }
0xa8: {  	s25 =	simm.s32 $0x1B8E;
	[sflag:s24] =	ssyncadd.s32 $0xFFFFFFFF  }
0xa9: {  	s26 =	simm.s32 $execute0_lowered;
	[smem:$0x3FD2] =	sst s25  }
0xaa: {  	s8 =	sshll.u32 s26, $0x1;
	_ =	strace $0x80000046;
	[dreg:$0x1] =	wrdreg $0xFFFFFFFF  }
0xab: {  	s28 =	simm.s32 $_size_execute0_lowered;
	s7 =	sadd.s32 s7, s8;
	[dreg:$0x0] =	wrdreg $0x0  }
0xac: {  	s8 =	sshll.u32 s28, $0x1;
	[dreg:$0x2] =	wrdreg s7  }
0xad: {  	[dreg:$0x3] =	wrdreg s8  }
0xae: {  	[dreg:$0x4] =	wrdreg $0xC0  }
0xaf: {  	_ =	task [dreg:s11], $0x5FFFF  }
0xb0: {  	[dreg:$0x1] =	wrdreg $0xFFFFFFFF  }
0xb1: {  	[dreg:$0x0] =	wrdreg $0x60  }
0xb2: {  	[dreg:$0x2] =	wrdreg s2  }
0xb3: {  	[dreg:$0x3] =	wrdreg s19  }
0xb4: {  	[dreg:$0x4] =	wrdreg s4  }
0xb5: {  	[dreg:$0x5] =	wrdreg s5  }
0xb6: {  	[dreg:$0x6] =	wrdreg s6  }
0xb7: {  	[dreg:$0x7] =	wrdreg $0x9  }
0xb8: {  	_ =	task.clear_ibuf [dreg:s11], $0x8FFFF;
	_ =	strace $0x90000046  }
0xb9: {  	s29 =	simm.s32 $0x9;
	_ =	strace $0x80000048  }
0xba: {  	_ =	swait.ge [sflag:s29], $0x1  }
0xbb: {  	[sflag:s29] =	ssyncadd.s32 $0xFFFFFFFF  }
0xbc: {  	_ =	strace $0x90000048  }
0xbd: {  	_ =	sfence  }
0xbe: {  	s30 =	sld [smem:$0x0];
	_ =	sdelay $0x2  }
0xbf: {  	s31 =	sshll.u32 s1, $0xD;
	s1 =	sshrl.u32 s1, $0x2  }
0xc0: {  	s3 =	sand.u32 $0x4000, s31;
	s1 =	sadd.s32 s1, s30  }
0xc1: {  	s0 =	sor.u32 s3, s0;
	s1 =	sshll.u32 s1, $0x11  }
0xc2: {  	s0 =	sor.u32 s1, s0  }
0xc3: {  	s0 =	sadd.s32 $0x8F2B, s0  }
0xc4: {  	[sflag:s0] =	ssyncadd.remote.s32 $0x1  }
0xc5: {  	_ =	sfence.sel $0xFFFF  }
0xc6: {  	[dreg:$0x0] =	wrdreg $0xFFFFFFFF;
	(pc) =	sbr.abs _section_cstart, $3  }
0xc7: {  	[dreg:$0x1] =	wrdreg $0xFFFFFFFF  }
0xc8: {  	_ =	task.clear_ibuf [dreg:s11], $0x2FFFF;
	_ =	strace $0x9FFFFFFF  }
0xc9: {  	(tm) =	ssettm $0x7FFFFFFF  }
tec
execute0_lowered:
.L_overlay_start_1:
0x0: {  	(tag) =	ssettag $0x1  }
0x1: {  	s0 =	rddreg [dreg:$0x0]  }
0x2: {  	s8 =	rddreg [dreg:$0x1]  }
0x3: {  	s2 =	rddreg [dreg:$0x2]  }
0x4: {  	s1 =	rddreg [dreg:$0x4];
	s3 =	srdreg.scid  }
0x5: {  	s5 =	simm.s32 $0x0;
	s6 =	stileid.u32;
	s15 =	simm.s32 $0x1  }
0x6: {  	s18 =	simm.s32 $0x4600;
	s19 =	simm.s32 $0x5600;
	s20 =	simm.s32 $0x6600  }
0x7: {  	s22 =	simm.s32 $0x8600;
	s23 =	simm.s32 $0x9600;
	s24 =	simm.s32 $0xA600  }
0x8: {  	s28 =	simm.s32 $0xDA00;
	s3 =	sand.u32 $0x1, s3;
	s6 =	sshll.u32 s6, $0x7  }
0x9: {  	[smem:$0x7FF] =	sst s5;
	s30 =	sadd.s32 $0x200, s8;
	s31 =	sadd.s32 $0x400, s8  }
0xa: {  	v0 =	vimm.f32 $3.000000010e+38;
	s4 =	ssub.s32 $0x2, s3;
	s3 =	sshll.u32 s3, $0x6;
	_ =	strace $0x80000047  }
0xb: {  	[dreg:$0x9] =	wrdreg s30;
	s7 =	sshrl.u32 s4, $0x1;
	s3 =	sor.u32 s3, s6;
	(xrf0) =	vmax.scan.msk.f32 $0xffff, v0  }
0xc: {  	[dreg:$0xa] =	wrdreg s31;
	s4 =	ssub.s32 s4, s7;
	s6 =	sor.u32 $0x800, s3  }
.Ltmp0:
0xd: {  	s25 =	sadd.s32 s0, s3;
	s29 =	sor.u32 $0x1000, s3;
	(pc) =	sbr.rel .LBB2_1-.Ltmp0, $4  }
0xe: {  	s11 =	sadd.s32 s1, s3;
	[dreg:$0x6] =	wrdreg s25;
	s26 =	sadd.s32 s0, s6  }
0xf: {  	s0 =	sadd.s32 s0, s29;
	s12 =	sadd.s32 s1, s6;
	s13 =	sadd.s32 s1, s29  }
0x10: {  	s14 =	smax.u32 s4, $0x1;
	s25 =	simm.s32 $0xB600;
	[dreg:$0x7] =	wrdreg s26  }
0x11: {  	v1 =	vimm.s32 $0x0;
	v2 =	vlaneseq.u32;
	[dreg:$0x8] =	wrdreg s0;
	s26 =	simm.s32 $0xD600;
	s0 =	simm.s32 $0x0;
	v0, _, _ =	vpop (xrf0)  }
.LBB2_44:
0x12: {  	s1 =	simm.s32 $0xDE80  }
0x13: {  	[hbm4b:s11+s5] =	stream.linear.scatter [tilespmem:s1], [sflag:$0x1], $0x200, $0x38;
	[tilespmem:$0xE480] =	vst v63  }
0x14: {  	_ =	swait.ge [sflag:s15], $0x200  }
0x15: {  	[sflag:s15] =	ssyncset.done $0x0  }
0x16: {  	s30 =	simm.s32 $0xE080;
	[sflag:s15] =	ssyncadd.s32 $0xFFFFFE00  }
0x17: {  	[hbm4b:s12+s5] =	stream.linear.scatter [tilespmem:s30], [sflag:$0x1], $0x200, $0x38;
	[tilespmem:$0xE480] =	vst v63  }
0x18: {  	s0 =	sadd.s32 $0x1, s0;
	_ =	swait.ge [sflag:s15], $0x200  }
0x19: {  	p0 =	sne.s32 s0, s14;
	[sflag:s15] =	ssyncset.done $0x0  }
.Ltmp1:
0x1a: {  	s31 =	simm.s32 $0xE280;
	[sflag:s15] =	ssyncadd.s32 $0xFFFFFE00;
	(pc) =	sbr.rel @!p0 .LBB2_45-.Ltmp1, $4  }
0x1b: {  	[hbm4b:s13+s5] =	stream.linear.scatter [tilespmem:s31], [sflag:$0x1], $0x200, $0x38;
	[tilespmem:$0xE480] =	vst v63  }
0x1c: {  	_ =	swait.ge [sflag:s15], $0x200  }
0x1d: {  	[sflag:s15] =	ssyncset.done $0x0  }
0x1e: {  	[sflag:s15] =	ssyncadd.s32 $0xFFFFFE00  }
.LBB2_1:
0x1f: {  	s1 =	rddreg [dreg:$0x6]  }
0x20: {  	[tilespmem:s5], [sflag:$0x1] =	stream.linear.gather [hbm4b:s1+s5], $0x200, $0x38;
	[tilespmem:$0xE480] =	vst v63  }
0x21: {  	_ =	swait.ge [sflag:s15], $0x200  }
0x22: {  	[sflag:s15] =	ssyncset.done $0x0  }
0x23: {  	s3 =	simm.s32 $0x200;
	s9 =	rddreg [dreg:$0x7];
	[sflag:s15] =	ssyncadd.s32 $0xFFFFFE00  }
0x24: {  	[tilespmem:s3], [sflag:$0x1] =	stream.linear.gather [hbm4b:s9+s5], $0x200, $0x38;
	[tilespmem:$0xE480] =	vst v63  }
0x25: {  	_ =	swait.ge [sflag:s15], $0x200  }
0x26: {  	[sflag:s15] =	ssyncset.done $0x0  }
0x27: {  	s16 =	simm.s32 $0x400;
	s10 =	rddreg [dreg:$0x8];
	[sflag:s15] =	ssyncadd.s32 $0xFFFFFE00  }
0x28: {  	[tilespmem:s16], [sflag:$0x1] =	stream.linear.gather [hbm4b:s10+s5], $0x200, $0x38;
	[tilespmem:$0xE480] =	vst v63  }
0x29: {  	_ =	swait.ge [sflag:s15], $0x200  }
0x2a: {  	[sflag:s15] =	ssyncset.done $0x0  }
0x2b: {  	[sflag:s15] =	ssyncadd.s32 $0xFFFFFE00  }
0x2c: {  	s17 =	rddreg [dreg:$0x1]  }
0x2d: {  	[tilespmem:s18], [sflag:$0x1] =	stream.linear.gather [hbm4b:s17+s5], $0x1000, $0x38;
	[tilespmem:$0xE480] =	vst v63  }
0x2e: {  	_ =	swait.ge [sflag:s15], $0x1000  }
0x2f: {  	[sflag:s15] =	ssyncset.done $0x0  }
0x30: {  	s21 =	rddreg [dreg:$0x9];
	[sflag:s15] =	ssyncadd.s32 $0xFFFFF000  }
0x31: {  	[tilespmem:s19], [sflag:$0x1] =	stream.linear.gather [hbm4b:s21+s5], $0x1000, $0x38;
	[tilespmem:$0xE480] =	vst v63  }
0x32: {  	_ =	swait.ge [sflag:s15], $0x1000  }
0x33: {  	[sflag:s15] =	ssyncset.done $0x0  }
0x34: {  	s29 =	rddreg [dreg:$0xa];
	[sflag:s15] =	ssyncadd.s32 $0xFFFFF000  }
0x35: {  	[tilespmem:s20], [sflag:$0x1] =	stream.linear.gather [hbm4b:s29+s5], $0x1000, $0x38;
	[tilespmem:$0xE480] =	vst v63  }
0x36: {  	_ =	swait.ge [sflag:s15], $0x1000  }
0x37: {  	[sflag:s15] =	ssyncset.done $0x0  }
0x38: {  	[sflag:s15] =	ssyncadd.s32 $0xFFFFF000  }
0x39: {  	s31 =	simm.s32 $0xDE00;
	s30 =	rddreg [dreg:$0x3]  }
0x3a: {  	[tilespmem:s31], [sflag:$0x1] =	stream.linear.gather [hbm4b:s30+s5], $0x80, $0x38;
	[tilespmem:$0xE480] =	vst v63  }
0x3b: {  	_ =	swait.ge [sflag:s15], $0x80  }
0x3c: {  	[sflag:s15] =	ssyncset.done $0x0  }
0x3d: {  	s1 =	simm.s32 $0x0;
	[sflag:s15] =	ssyncadd.s32 $0xFFFFFF80  }
0x3e: {  	v4 =	vld [tilespmem:s1+$0x6600]  }
0x3f: {  	v5 =	vld [tilespmem:s1+$0x4600]  }
0x40: {  	v6 =	vld [tilespmem:s1+$0x5600];
	_ =	sdelay $0x3  }
0x41: {  	v7 =	vshrl.u32 v4, $0x10;
	v3 =	vmul.f32 v4, v4  }
0x42: {  	v8 =	vshrl.u32 v5, $0x10;
	v9 =	vmul.f32 v5, v5;
	v10 =	vshrl.u32 v6, $0x10  }
0x43: {  	v11 =	vmul.f32 v6, v6;
	v7 =	vand.u32 $0x1, v7;
	v8 =	vand.u32 $0x1, v8  }
0x44: {  	v5 =	vadd.s32 v8, v5;
	v8 =	vand.u32 $0x1, v10;
	v7 =	vadd.s32 v7, v4  }
0x45: {  	s4 =	sand.u32 $0x70, s5;
	s6 =	sand.u32 $0x3E00, s5;
	v4 =	vadd.f32 v11, v9;
	v5 =	vadd.s32 $0x7FFF, v5;
	v6 =	vadd.s32 v8, v6  }
0x46: {  	s6 =	sor.u32 s4, s6;
	s4 =	simm.s32 $0x0;
	s3 =	simm.s32 $0x10;
	v7 =	vadd.s32 $0x7FFF, v7;
	v5 =	vand.u32 $0xFFFF0000, v5;
	v6 =	vadd.s32 $0x7FFF, v6  }
.LBB2_2:
0x47: {  	p0 =	sne.s32 s3, $0xFF0  }
0x48: {  	[tilespmem:s6+$0x600] =	vst v5;
	v5 =	vand.u32 $0xFFFF0000, v6;
	v6 =	vand.u32 $0xFFFF0000, v7;
	v3 =	vadd.f32 v3, v4;
	s4 =	sadd.s32 $0x40, s4;
	s7 =	smov.u32 s3;
	s3 =	sadd.s32 $0x10, s3  }
0x49: {  	[tilespmem:s6+$0x680] =	vst v5  }
0x4a: {  	s8 =	sshra.s32 s4, $0x2;
	[tilespmem:s6+$0x700] =	vst v6  }
0x4b: {  	v4 =	vld [tilespmem:s8+$0x6600];
	[tilespmem:s1+$0x7600] =	vst v3;
	s1 =	smov.u32 s8  }
0x4c: {  	v5 =	vld [tilespmem:s1+$0x4600]  }
0x4d: {  	v6 =	vld [tilespmem:s1+$0x5600];
	_ =	sdelay $0x2  }
0x4e: {  	v7 =	vshrl.u32 v4, $0x10;
	v3 =	vmul.f32 v4, v4  }
.Ltmp2:
0x4f: {  	v8 =	vshrl.u32 v5, $0x10;
	v7 =	vand.u32 $0x1, v7;
	v9 =	vmul.f32 v5, v5;
	(pc) =	sbr.rel @p0 .LBB2_2-.Ltmp2, $4  }
0x50: {  	v8 =	vand.u32 $0x1, v8;
	v10 =	vshrl.u32 v6, $0x10;
	v11 =	vmul.f32 v6, v6  }
0x51: {  	v7 =	vadd.s32 v7, v4;
	v5 =	vadd.s32 v8, v5;
	v8 =	vand.u32 $0x1, v10  }
0x52: {  	s6 =	sand.u32 $0x70, s7;
	s7 =	sand.u32 $0x3E00, s4;
	v5 =	vadd.s32 $0x7FFF, v5;
	v6 =	vadd.s32 v8, v6;
	v4 =	vadd.f32 v11, v9  }
0x53: {  	s6 =	sor.u32 s6, s7;
	v7 =	vadd.s32 $0x7FFF, v7;
	v5 =	vand.u32 $0xFFFF0000, v5;
	v6 =	vadd.s32 $0x7FFF, v6  }
0x54: {  	[tilespmem:s6+$0x600] =	vst v5;
	v5 =	vand.u32 $0xFFFF0000, v6  }
0x55: {  	v6 =	vand.u32 $0xFFFF0000, v7;
	v3 =	vadd.f32 v3, v4;
	[tilespmem:s6+$0x680] =	vst v5  }
0x56: {  	[tilespmem:s6+$0x700] =	vst v6  }
0x57: {  	[tilespmem:s1+$0x7600] =	vst v3  }
0x58: {  	v3 =	vld [tilespmem:$0xDE00];
	_ =	sdelay $0x4  }
0x59: {  	(v2sf) =	vpush v3, $0x0;
	_ =	sdelay $0xe  }
0x5a: {  	s30 =	spop (v2sf)  }
0x5b: {  	s1 =	smul.f32 $2.000000000e+01, s30;
	_ =	sdelay $0x1  }
0x5c: {  	s3 =	scvt.f32.s32 s1;
	_ =	sdelay $0x1  }
0x5d: {  	s4 =	scvt.s32.f32 s3;
	_ =	sdelay $0x1  }
0x5e: {  	p0 =	slt.f32 s1, s4  }
0x5f: {  	s4 =	simm.s32 $0x1  }
0x60: {  	s4 =	simm.s32 @!p0 $0x0  }
0x61: {  	s4 =	ssub.s32 s3, s4  }
0x62: {  	s31 =	sadd.s32 $0x1, s4  }
0x63: {  	s9 =	smulhi.u32 $0x66666667, s31;
	s7 =	sshra.s32 s31, $0x1F  }
0x64: {  	s7 =	smul.u32 $0x66666667, s7;
	_ =	sdelay $0x1  }
0x65: {  	s3 =	sadd.s32 s7, s9  }
0x66: {  	s10 =	scvt.s32.f32 s4;
	s8 =	sshrl.u32 s3, $0x1F;
	s3 =	sshrl.u32 s3, $0x3  }
0x67: {  	s3 =	sadd.s32 s8, s3  }
0x68: {  	s7 =	ssub.f32 s1, s10;
	s16 =	smul.u32 $0x14, s3  }
0x69: {  	s3 =	smul.u32 $0x3000, s4  }
0x6a: {  	p0 =	sgt.f32 s7, $0.0e+00  }
0x6b: {  	s1 =	ssub.s32 s31, s16;
	s17 =	sshrl.u32 s3, $0x3  }
0x6c: {  	s29 =	simm.s32 $0x0;
	s4 =	smov.u32 @p0 s1;
	s21 =	sadd.s32 s2, s17  }
0x6d: {  	[tilespmem:s22], [sflag:$0x1] =	stream.linear.gather [hbm4b:s21+s29], $0x1000, $0x38;
	[tilespmem:$0xE480] =	vst v63  }
0x6e: {  	s16 =	smul.u32 $0x3000, s4  }
0x6f: {  	_ =	swait.ge [sflag:s15], $0x1000  }
0x70: {  	[sflag:s15] =	ssyncset.done $0x0;
	s30 =	sshrl.u32 s16, $0x3  }
0x71: {  	[sflag:s15] =	ssyncadd.s32 $0xFFFFF000;
	s1 =	sadd.s32 s2, s30  }
0x72: {  	[tilespmem:s23], [sflag:$0x1] =	stream.linear.gather [hbm4b:s1+s29], $0x1000, $0x38;
	[tilespmem:$0xE480] =	vst v63  }
0x73: {  	_ =	swait.ge [sflag:s15], $0x1000  }
0x74: {  	s31 =	ssub.f32 $1.000000000e+00, s7;
	[sflag:s15] =	ssyncset.done $0x0  }
0x75: {  	s1 =	simm.s32 $0x0;
	[sflag:s15] =	ssyncadd.s32 $0xFFFFF000  }
0x76: {  	v4 =	vmov s7;
	v3 =	vmov s31;
	s4 =	simm.s32 $0x40;
	v5 =	vld [tilespmem:s1+$0x8600]  }
.LBB2_4:
0x77: {  	p0 =	sne.s32 s4, $0x3FC0;
	v6 =	vld [tilespmem:s1+$0x9600];
	_ =	sdelay $0x4  }
.Ltmp3:
0x78: {  	v5 =	vmul.f32 v5, v3;
	v6 =	vmul.f32 v6, v4;
	(pc) =	sbr.rel @p0 .LBB2_4-.Ltmp3, $4  }
0x79: {  	_ = 	snop  }
0x7a: {  	v6 =	vadd.f32 v6, v5  }
0x7b: {  	s6 =	sshra.s32 s4, $0x2  }
0x7c: {  	s4 =	sadd.s32 $0x40, s4;
	v5 =	vld [tilespmem:s6+$0x8600];
	[tilespmem:s1+$0x9600] =	vst v6;
	s1 =	smov.u32 s6  }
0x7d: {  	v6 =	vld [tilespmem:s1+$0x9600];
	_ =	sdelay $0x4  }
0x7e: {  	v5 =	vmul.f32 v5, v3;
	v6 =	vmul.f32 v6, v4;
	_ =	sdelay $0x1  }
0x7f: {  	s4 =	sadd.s32 $0x1000, s3;
	v5 =	vadd.f32 v6, v5  }
0x80: {  	s4 =	sshrl.u32 s4, $0x3  }
0x81: {  	s30 =	simm.s32 $0x0;
	s29 =	sadd.s32 s2, s4;
	[tilespmem:s1+$0x9600] =	vst v5  }
0x82: {  	[tilespmem:s22], [sflag:$0x1] =	stream.linear.gather [hbm4b:s29+s30], $0x1000, $0x38;
	[tilespmem:$0xE480] =	vst v63  }
0x83: {  	s31 =	sadd.s32 $0x1000, s16;
	_ =	swait.ge [sflag:s15], $0x1000  }
0x84: {  	s1 =	sshrl.u32 s31, $0x3;
	[sflag:s15] =	ssyncset.done $0x0  }
0x85: {  	s1 =	sadd.s32 s2, s1;
	[sflag:s15] =	ssyncadd.s32 $0xFFFFF000  }
0x86: {  	[tilespmem:s24], [sflag:$0x1] =	stream.linear.gather [hbm4b:s1+s30], $0x1000, $0x38;
	[tilespmem:$0xE480] =	vst v63  }
0x87: {  	_ =	swait.ge [sflag:s15], $0x1000  }
0x88: {  	[sflag:s15] =	ssyncset.done $0x0  }
0x89: {  	s1 =	simm.s32 $0x0;
	[sflag:s15] =	ssyncadd.s32 $0xFFFFF000  }
0x8a: {  	s4 =	simm.s32 $0x40;
	v5 =	vld [tilespmem:s1+$0x8600]  }
.LBB2_6:
0x8b: {  	p0 =	sne.s32 s4, $0x3FC0;
	v6 =	vld [tilespmem:s1+$0xA600];
	_ =	sdelay $0x4  }
.Ltmp4:
0x8c: {  	v5 =	vmul.f32 v5, v3;
	v6 =	vmul.f32 v6, v4;
	(pc) =	sbr.rel @p0 .LBB2_6-.Ltmp4, $4  }
0x8d: {  	_ = 	snop  }
0x8e: {  	v6 =	vadd.f32 v6, v5  }
0x8f: {  	s6 =	sshra.s32 s4, $0x2  }
0x90: {  	s4 =	sadd.s32 $0x40, s4;
	v5 =	vld [tilespmem:s6+$0x8600];
	[tilespmem:s1+$0xA600] =	vst v6;
	s1 =	smov.u32 s6  }
0x91: {  	v6 =	vld [tilespmem:s1+$0xA600];
	_ =	sdelay $0x4  }
0x92: {  	v5 =	vmul.f32 v5, v3;
	v6 =	vmul.f32 v6, v4;
	_ =	sdelay $0x1  }
0x93: {  	s3 =	sadd.s32 $0x2000, s3;
	v5 =	vadd.f32 v6, v5  }
0x94: {  	s3 =	sshrl.u32 s3, $0x3  }
0x95: {  	s4 =	simm.s32 $0x0;
	s30 =	sadd.s32 s2, s3;
	[tilespmem:s1+$0xA600] =	vst v5  }
0x96: {  	[tilespmem:s22], [sflag:$0x1] =	stream.linear.gather [hbm4b:s30+s4], $0x1000, $0x38;
	[tilespmem:$0xE480] =	vst v63  }
0x97: {  	s31 =	sadd.s32 $0x2000, s16;
	_ =	swait.ge [sflag:s15], $0x1000  }
0x98: {  	s1 =	sshrl.u32 s31, $0x3;
	[sflag:s15] =	ssyncset.done $0x0  }
0x99: {  	s1 =	sadd.s32 s2, s1;
	[sflag:s15] =	ssyncadd.s32 $0xFFFFF000  }
0x9a: {  	[tilespmem:s25], [sflag:$0x1] =	stream.linear.gather [hbm4b:s1+s4], $0x1000, $0x38;
	[tilespmem:$0xE480] =	vst v63  }
0x9b: {  	_ =	swait.ge [sflag:s15], $0x1000  }
0x9c: {  	[sflag:s15] =	ssyncset.done $0x0  }
0x9d: {  	s1 =	simm.s32 $0x0;
	[sflag:s15] =	ssyncadd.s32 $0xFFFFF000  }
0x9e: {  	s3 =	simm.s32 $0x40;
	v5 =	vld [tilespmem:s1+$0x8600]  }
.LBB2_8:
0x9f: {  	p0 =	sne.s32 s3, $0x3FC0;
	v6 =	vld [tilespmem:s1+$0xB600];
	_ =	sdelay $0x4  }
.Ltmp5:
0xa0: {  	v5 =	vmul.f32 v5, v3;
	v6 =	vmul.f32 v6, v4;
	(pc) =	sbr.rel @p0 .LBB2_8-.Ltmp5, $4  }
0xa1: {  	_ = 	snop  }
0xa2: {  	v6 =	vadd.f32 v6, v5  }
0xa3: {  	s6 =	sshra.s32 s3, $0x2  }
0xa4: {  	s3 =	sadd.s32 $0x40, s3;
	v5 =	vld [tilespmem:s6+$0x8600];
	[tilespmem:s1+$0xB600] =	vst v6;
	s1 =	smov.u32 s6  }
0xa5: {  	v6 =	vld [tilespmem:s1+$0xB600];
	_ =	sdelay $0x4  }
.Ltmp6:
0xa6: {  	v3 =	vmul.f32 v5, v3;
	v4 =	vmul.f32 v6, v4;
	(pc) =	sbr.rel .LBB2_10-.Ltmp6, $3  }
0xa7: {  	_ = 	snop  }
0xa8: {  	v3 =	vadd.f32 v4, v3;
	_ =	sdelay $0x1  }
0xa9: {  	[tilespmem:s1+$0xB600] =	vst v3  }
.LBB2_43:
0xaa: {  	s4 =	sadd.s32 $0x1, s4  }
0xab: {  	p0 =	sne.s32 s4, $0x20  }
.Ltmp7:
0xac: {  	_ = 	snop;
	(pc) =	sbr.rel @!p0 .LBB2_44-.Ltmp7, $4  }
0xad: {  	_ = 	snop  }
0xae: {  	[tilespmem:s3+$0xDE80] =	vst v5;
	s1 =	sand.u32 $0x1F0, s3  }
0xaf: {  	[tilespmem:s1+$0xE080] =	vst v4  }
0xb0: {  	[tilespmem:s1+$0xE280] =	vst v3  }
.LBB2_10:
.Ltmp8:
0xb1: {  	(pc) =	sbr.rel .LBB2_11-.Ltmp8, $2  }
0xb2: {  	_ =	sdelay $0x2  }
0xb3: {  	s3 =	sshll.u32 s4, $0x4;
	s16 =	simm.s32 $0x0;
	v3 =	vimm.f32 $0.0e+00;
	v4 =	vimm.f32 $0.0e+00;
	v5 =	vimm.f32 $0.0e+00;
	s17 =	simm.s32 $0x0  }
.LBB2_28:
0xb4: {  	v10 =	vimm.f32 $0.0e+00  }
0xb5: {  	v7 =	vimm.f32 $0.0e+00;
	v6 =	vimm.f32 $0.0e+00;
	v8 =	vimm.f32 $0.0e+00  }
.LBB2_42:
0xb6: {  	(xrf2) =	vadd.scan.msk.f32 $0xffff, v10;
	_ =	sdelay $0x9  }
0xb7: {  	v10, _, _ =	vpop (xrf2)  }
0xb8: {  	(v2sf) =	vpush v10, $0xF;
	_ =	sdelay $0xe  }
0xb9: {  	(xrf2) =	vadd.scan.msk.f32 $0xffff, v7;
	s1 =	spop (v2sf)  }
0xba: {  	(xrf2) =	vadd.scan.msk.f32 $0xffff, v6;
	s1 =	sadd.f32 $9.999999930e-09, s1  }
0xbb: {  	(xrf2) =	vadd.scan.msk.f32 $0xffff, v8  }
0xbc: {  	v6 =	vmov s1  }
0xbd: {  	(erf) = vrcp.f32 v6;
	_ =	sdelay $0x5  }
0xbe: {  	v6, _, _ =	vpop (xrf2)  }
0xbf: {  	s17 =	sadd.s32 $0x1, s17;
	v7, _, _ =	vpop (xrf2)  }
0xc0: {  	p0 =	sne.s32 s17, $0x10;
	v6 =	vbroadcast v6, $0xF;
	v8, _, _ =	vpop (xrf2)  }
.Ltmp9:
0xc1: {  	v7 =	vbroadcast v7, $0xF;
	v8 =	vbroadcast v8, $0xF;
	v63 =	vpop (erf);
	(pc) =	sbr.rel @!p0 .LBB2_43-.Ltmp9, $4  }
0xc2: {  	v6 =	vmul.f32 v63, v6  }
0xc3: {  	v7 =	vmul.f32 v63, v7;
	v8 =	vmul.f32 v63, v8  }
0xc4: {  	vm0 =	veq.s32 v9, v2  }
0xc5: {  	v5 =	vsel vm0, v6, v5;
	v4 =	vsel vm0, v7, v4;
	v3 =	vsel vm0, v8, v3  }
.LBB2_11:
0xc6: {  	s1 =	sadd.s32 s3, s17  }
0xc7: {  	v6 =	vmov s1  }
0xc8: {  	v8 =	vor.u32 $0x200, v6  }
0xc9: {  	v9 =	vor.u32 $0x400, v6;
	_ =	sdelay $0x2  }
0xca: {  	v7 =	vld.idx.msk [tilespmem:v6+s16+$0x0], $0xffff  }
0xcb: {  	v8 =	vld.idx.msk [tilespmem:v8+s16+$0x0], $0xffff  }
0xcc: {  	s30 =	sand.u32 $0x3E00, s16;
	v6 =	vld.idx.msk [tilespmem:v9+s16+$0x0], $0xffff  }
0xcd: {  	s6 =	sand.u32 $0x40, s16;
	s1 =	sadd.s32 $0x600, s30  }
0xce: {  	s7 =	sor.u32 s6, s1  }
0xcf: {  	v11 =	vld [tilespmem:s7+$0x0]  }
0xd0: {  	v12 =	vld [tilespmem:s7+$0x80];
	v9 =	vshrl.u32 v7, $0x10;
	v15 =	vmul.f32 v7, v7;
	v10 =	vshrl.u32 v8, $0x10  }
0xd1: {  	v9 =	vand.u32 $0x1, v9;
	v13 =	vshrl.u32 v6, $0x10;
	v10 =	vand.u32 $0x1, v10  }
0xd2: {  	v14 =	vld [tilespmem:s7+$0x100];
	v16 =	vmul.f32 v8, v8;
	v9 =	vadd.s32 v9, v7;
	v10 =	vadd.s32 v10, v8  }
0xd3: {  	v13 =	vand.u32 $0x1, v13;
	v9 =	vadd.s32 $0x7FFF, v9;
	v10 =	vadd.s32 $0x7FFF, v10  }
0xd4: {  	v13 =	vadd.s32 v13, v6;
	v9 =	vand.u32 $0xFFFF0000, v9;
	v10 =	vand.u32 $0xFFFF0000, v10  }
0xd5: {  	s31 =	simm.s32 $0x0;
	v13 =	vadd.s32 $0x7FFF, v13;
	v17 =	vmul.f32 v9, v11;
	v12 =	vmul.f32 v10, v12  }
0xd6: {  	v11 =	vand.u32 $0xFFFF0000, v13;
	v13 =	vadd.f32 v16, v15;
	v15 =	vld [tilespmem:s31+$0x7600]  }
0xd7: {  	v16 =	vmul.f32 v6, v6;
	v14 =	vmul.f32 v11, v14;
	v17 =	vadd.f32 v12, v17;
	_ =	sdelay $0x1  }
0xd8: {  	v12 =	vadd.f32 v16, v13;
	v13 =	vadd.f32 v14, v17;
	_ =	sdelay $0x1  }
0xd9: {  	v14 =	vadd.f32 v15, v12;
	v13 =	vadd.f32 v13, v13;
	_ =	sdelay $0x1  }
0xda: {  	v13 =	vsub.f32 v14, v13;
	_ =	sdelay $0x1  }
0xdb: {  	s8 =	sor.u32 $0x10, s6;
	v14 =	vmax.f32 v13, $0.0e+00  }
0xdc: {  	s9 =	sor.u32 s8, s1;
	[tilespmem:s31+$0xC600] =	vst v14  }
0xdd: {  	v13 =	vld [tilespmem:s9+$0x0]  }
0xde: {  	v15 =	vld [tilespmem:s9+$0x80];
	_ =	sdelay $0x1  }
0xdf: {  	v16 =	vld [tilespmem:s9+$0x100];
	_ =	sdelay $0x1  }
0xe0: {  	s10 =	sand.u32 $0xF80, s16  }
0xe1: {  	s8 =	sor.u32 s10, s8;
	v13 =	vmul.f32 v9, v13;
	v15 =	vmul.f32 v10, v15  }
0xe2: {  	v17 =	vld [tilespmem:s8+$0x7600]  }
0xe3: {  	v13 =	vadd.f32 v15, v13;
	v15 =	vmul.f32 v11, v16;
	_ =	sdelay $0x1  }
0xe4: {  	v13 =	vadd.f32 v15, v13;
	_ =	sdelay $0x1  }
0xe5: {  	v15 =	vadd.f32 v17, v12;
	v13 =	vadd.f32 v13, v13;
	_ =	sdelay $0x1  }
0xe6: {  	v13 =	vsub.f32 v15, v13;
	_ =	sdelay $0x1  }
0xe7: {  	s21 =	sor.u32 $0x20, s6;
	v15 =	vmax.f32 v13, $0.0e+00  }
0xe8: {  	s30 =	sor.u32 s21, s1;
	[tilespmem:s8+$0xC600] =	vst v15  }
0xe9: {  	v13 =	vld [tilespmem:s30+$0x0]  }
0xea: {  	v16 =	vld [tilespmem:s30+$0x80];
	_ =	sdelay $0x1  }
0xeb: {  	v17 =	vld [tilespmem:s30+$0x100];
	_ =	sdelay $0x2  }
0xec: {  	s31 =	sor.u32 s10, s21;
	v13 =	vmul.f32 v9, v13;
	v16 =	vmul.f32 v10, v16  }
0xed: {  	v18 =	vld [tilespmem:s31+$0x7600]  }
0xee: {  	v13 =	vadd.f32 v16, v13;
	v16 =	vmul.f32 v11, v17;
	_ =	sdelay $0x1  }
0xef: {  	v13 =	vadd.f32 v16, v13;
	_ =	sdelay $0x1  }
0xf0: {  	v16 =	vadd.f32 v18, v12;
	v13 =	vadd.f32 v13, v13;
	_ =	sdelay $0x1  }
0xf1: {  	v13 =	vsub.f32 v16, v13;
	_ =	sdelay $0x1  }
0xf2: {  	s6 =	sor.u32 $0x30, s6;
	v18 =	vmax.f32 v13, $0.0e+00  }
0xf3: {  	s1 =	sor.u32 s6, s1;
	[tilespmem:s31+$0xC600] =	vst v18  }
0xf4: {  	v13 =	vld [tilespmem:s1+$0x0]  }
0xf5: {  	v16 =	vld [tilespmem:s1+$0x80]  }
0xf6: {  	s6 =	sor.u32 s10, s6;
	v17 =	vld [tilespmem:s1+$0x100]  }
0xf7: {  	v21 =	vld [tilespmem:s6+$0x7600];
	_ =	sdelay $0x2  }
0xf8: {  	v19 =	vmul.f32 v9, v13;
	v16 =	vmul.f32 v10, v16  }
0xf9: {  	v13 =	vimm.f32 $3.000000010e+38  }
0xfa: {  	v22 =	vmul.f32 v11, v17;
	v21 =	vadd.f32 v21, v12;
	v19 =	vadd.f32 v16, v19  }
0xfb: {  	v20 =	vmax.f32 v13, v14;
	v14 =	vmin.f32 v13, v14;
	v23 =	vmax.f32 v13, v18  }
0xfc: {  	v16 =	vmin.f32 v13, v15;
	v15 =	vmax.f32 v13, v15;
	v19 =	vadd.f32 v22, v19  }
0xfd: {  	v17 =	vmin.f32 v13, v20;
	v20 =	vmin.f32 v13, v15;
	v15 =	vmin.f32 v13, v18  }
0xfe: {  	s29 =	simm.s32 $0x0;
	s21 =	simm.s32 $0x40;
	v18 =	vmin.f32 v13, v23;
	v22 =	vadd.f32 v19, v19;
	v19 =	vimm.f32 $3.000000010e+38  }
.LBB2_12:
0xff: {  	p0 =	sne.s32 s21, $0xFC0  }
0x100: {  	s29 =	sadd.s32 $0x100, s29;
	s7 =	smov.u32 s21;
	s21 =	sadd.s32 $0x40, s21  }
0x101: {  	s1 =	sand.u32 $0x3E00, s29;
	v21 =	vsub.f32 v21, v22  }
0x102: {  	s8 =	sand.u32 $0x40, s7;
	s31 =	sadd.s32 $0x600, s1  }
0x103: {  	s10 =	sor.u32 $0x10, s8;
	s1 =	sor.u32 $0x20, s8;
	s9 =	sor.u32 s8, s31;
	v21 =	vmax.f32 v21, $0.0e+00  }
0x104: {  	s30 =	sor.u32 $0x30, s8;
	[tilespmem:s6+$0xC600] =	vst v21;
	v22 =	vmax.f32 v13, v21;
	v13 =	vmin.f32 v13, v21  }
0x105: {  	v21 =	vld [tilespmem:s9+$0x0];
	v19 =	vmin.f32 v19, v22  }
0x106: {  	v22 =	vld [tilespmem:s9+$0x80];
	_ =	sdelay $0x1  }
0x107: {  	v23 =	vld [tilespmem:s9+$0x100];
	_ =	sdelay $0x2  }
0x108: {  	s6 =	sshra.s32 s29, $0x2;
	v21 =	vmul.f32 v9, v21;
	v22 =	vmul.f32 v10, v22  }
0x109: {  	v24 =	vld [tilespmem:s6+$0x7600]  }
0x10a: {  	v21 =	vadd.f32 v22, v21;
	v22 =	vmul.f32 v11, v23;
	_ =	sdelay $0x1  }
0x10b: {  	v21 =	vadd.f32 v22, v21;
	_ =	sdelay $0x1  }
0x10c: {  	v22 =	vadd.f32 v24, v12;
	v21 =	vadd.f32 v21, v21;
	_ =	sdelay $0x1  }
0x10d: {  	v21 =	vsub.f32 v22, v21;
	_ =	sdelay $0x1  }
0x10e: {  	v21 =	vmax.f32 v21, $0.0e+00  }
0x10f: {  	[tilespmem:s6+$0xC600] =	vst v21;
	v22 =	vmax.f32 v14, v21;
	v14 =	vmin.f32 v14, v21;
	s6 =	sor.u32 s10, s31  }
0x110: {  	v17 =	vmin.f32 v17, v22;
	v21 =	vld [tilespmem:s6+$0x0]  }
0x111: {  	v22 =	vld [tilespmem:s6+$0x80];
	_ =	sdelay $0x1  }
0x112: {  	v23 =	vld [tilespmem:s6+$0x100];
	_ =	sdelay $0x1  }
0x113: {  	s6 =	sand.u32 $0xF80, s7  }
0x114: {  	s7 =	sor.u32 s6, s10;
	v21 =	vmul.f32 v9, v21;
	v22 =	vmul.f32 v10, v22  }
0x115: {  	v24 =	vld [tilespmem:s7+$0x7600]  }
0x116: {  	v21 =	vadd.f32 v22, v21;
	v22 =	vmul.f32 v11, v23;
	_ =	sdelay $0x1  }
0x117: {  	v21 =	vadd.f32 v22, v21;
	_ =	sdelay $0x1  }
0x118: {  	v22 =	vadd.f32 v24, v12;
	v21 =	vadd.f32 v21, v21;
	_ =	sdelay $0x1  }
0x119: {  	v21 =	vsub.f32 v22, v21;
	_ =	sdelay $0x1  }
0x11a: {  	v21 =	vmax.f32 v21, $0.0e+00  }
0x11b: {  	[tilespmem:s7+$0xC600] =	vst v21;
	v22 =	vmax.f32 v16, v21;
	v16 =	vmin.f32 v16, v21;
	s7 =	sor.u32 s1, s31  }
0x11c: {  	v20 =	vmin.f32 v20, v22;
	v21 =	vld [tilespmem:s7+$0x0]  }
0x11d: {  	s1 =	sor.u32 s6, s1;
	v22 =	vld [tilespmem:s7+$0x80]  }
0x11e: {  	v23 =	vld [tilespmem:s1+$0x7600]  }
0x11f: {  	v24 =	vld [tilespmem:s7+$0x100];
	_ =	sdelay $0x1  }
0x120: {  	v21 =	vmul.f32 v9, v21  }
0x121: {  	v22 =	vmul.f32 v10, v22;
	_ =	sdelay $0x1  }
0x122: {  	v21 =	vadd.f32 v22, v21;
	v22 =	vmul.f32 v11, v24;
	_ =	sdelay $0x1  }
0x123: {  	v21 =	vadd.f32 v22, v21;
	_ =	sdelay $0x1  }
0x124: {  	v22 =	vadd.f32 v23, v12;
	v21 =	vadd.f32 v21, v21;
	_ =	sdelay $0x1  }
0x125: {  	v21 =	vsub.f32 v22, v21;
	_ =	sdelay $0x1  }
0x126: {  	v21 =	vmax.f32 v21, $0.0e+00  }
0x127: {  	[tilespmem:s1+$0xC600] =	vst v21;
	v22 =	vmax.f32 v15, v21;
	v15 =	vmin.f32 v15, v21;
	s1 =	sor.u32 s30, s31  }
0x128: {  	v18 =	vmin.f32 v18, v22;
	v21 =	vld [tilespmem:s1+$0x0]  }
0x129: {  	v22 =	vld [tilespmem:s1+$0x80]  }
0x12a: {  	s6 =	sor.u32 s6, s30;
	v23 =	vld [tilespmem:s1+$0x100]  }
0x12b: {  	v24 =	vld [tilespmem:s6+$0x7600];
	_ =	sdelay $0x2  }
0x12c: {  	v21 =	vmul.f32 v9, v21;
	v22 =	vmul.f32 v10, v22  }
0x12d: {  	v23 =	vmul.f32 v11, v23  }
.Ltmp10:
0x12e: {  	v21 =	vadd.f32 v22, v21;
	(pc) =	sbr.rel @p0 .LBB2_12-.Ltmp10, $4  }
0x12f: {  	_ = 	snop  }
0x130: {  	v22 =	vadd.f32 v23, v21  }
0x131: {  	v21 =	vadd.f32 v24, v12  }
0x132: {  	v22 =	vadd.f32 v22, v22  }
0x133: {  	_ = 	snop  }
0x134: {  	v10 =	vmax.f32 v14, v16;
	v12 =	vmin.f32 v17, v20;
	v9 =	vsub.f32 v21, v22  }
0x135: {  	v10 =	vmin.f32 v10, v12;
	v12 =	vmin.f32 v14, v16  }
0x136: {  	v14 =	vmax.f32 v12, v15;
	v11 =	vmax.f32 v9, $0.0e+00  }
0x137: {  	v10 =	vmin.f32 v10, v18;
	v9 =	vmin.f32 v13, v11;
	v13 =	vmax.f32 v13, v11  }
0x138: {  	v14 =	vmin.f32 v14, v10;
	v10 =	vmin.f32 v12, v15;
	v13 =	vmin.f32 v19, v13  }
0x139: {  	v12 =	vmax.f32 v10, v9;
	v13 =	vmin.f32 v14, v13  }
0x13a: {  	v12 =	vmin.f32 v12, v13  }
0x13b: {  	(xrf0) =	vmax.scan.msk.f32 $0xffff, v12;
	_ =	sdelay $0x2  }
0x13c: {  	s21 =	simm.s32 $0xC620;
	[tilespmem:s6+$0xC600] =	vst v11  }
0x13d: {  	v12 =	vld [tilespmem:s21+$0xFFFFFFE0];
	_ =	sdelay $0x1  }
0x13e: {  	v13 =	vld [tilespmem:s21+$0xFFFFFFF0];
	v11, _, _ =	vpop (xrf0)  }
0x13f: {  	v14 =	vld [tilespmem:s21+$0x0];
	v11 =	vbroadcast v11, $0xF;
	_ =	sdelay $0x1  }
0x140: {  	vm3 =	vle.f32 v12, v11  }
0x141: {  	v15 =	vsel vm3, $0x1, v1  }
0x142: {  	vm1 =	vle.f32 v13, v11;
	(xrf0) =	vadd.scan.msk.s32 $0xffff, v15  }
0x143: {  	vm0 =	vle.f32 v14, v11;
	v15 =	vsel vm1, $0x1, v1  }
0x144: {  	(xrf0) =	vadd.scan.msk.s32 $0xffff, v15;
	v15 =	vsel vm0, $0x1, v1  }
0x145: {  	(xrf0) =	vadd.scan.msk.s32 $0xffff, v15;
	_ =	sdelay $0x2  }
0x146: {  	v15, _, _ =	vpop (xrf0)  }
0x147: {  	(v2sf) =	vpush v15, $0xF  }
0x148: {  	v53, _, _ =	vpop (xrf0)  }
0x149: {  	(v2sf) =	vpush v53, $0xF;
	v55, _, _ =	vpop (xrf0)  }
0x14a: {  	v54 =	vld [tilespmem:s21+$0x10];
	(v2sf) =	vpush v55, $0xF;
	_ =	sdelay $0x4  }
0x14b: {  	vm2 =	vle.f32 v54, v11  }
0x14c: {  	v56 =	vsel vm2, $0x1, v1  }
0x14d: {  	(xrf0) =	vadd.scan.msk.s32 $0xffff, v56  }
0x14e: {  	s1 =	simm.s32 $0x0  }
0x14f: {  	v57 =	vmov s1  }
0x150: {  	v19 =	vadd.s32 $0xFFFFFFFF, v57  }
0x151: {  	v19 =	vbroadcast v19, $0x0  }
0x152: {  	s10 =	spop (v2sf)  }
0x153: {  	v15 =	vadd.s32 v15, v19;
	v58, _, _ =	vpop (xrf0);
	s6 =	sadd.s32 $0x0, s10  }
0x154: {  	vm4 =	vlt.s32 v15, $0x400;
	(v2sf) =	vpush v58, $0xF;
	s7 =	spop (v2sf);
	v59 =	vmov s6  }
0x155: {  	vm5 =	vgt.s32 v15, $0x0;
	vm3 =	vmand vm3, vm4;
	s6 =	sadd.s32 s7, s6;
	s31 =	spop (v2sf);
	v21 =	vadd.s32 $0xFFFFFFFF, v59  }
0x156: {  	v15 =	vnsel vm5, $0x0, v15;
	v60 =	vmov s6;
	s6 =	sadd.s32 s31, s6;
	v61 =	vbroadcast v21, $0x0  }
0x157: {  	v15 =	vmin.u32 v15, $0x3FF;
	v62 =	vadd.s32 $0xFFFFFFFF, v60;
	v63 =	vmov s6  }
0x158: {  	v21 =	vbroadcast v62, $0x0;
	v19 =	vadd.s32 $0xFFFFFFFF, v63;
	v16 =	vadd.s32 v53, v61  }
0x159: {  	v19 =	vbroadcast v19, $0x0;
	vm11 =	vlt.s32 v16, $0x400;
	vm12 =	vgt.s32 v16, $0x0  }
0x15a: {  	v18 =	vadd.s32 v55, v21;
	vm1 =	vmand vm1, vm11;
	v16 =	vnsel vm12, $0x0, v16  }
0x15b: {  	vm13 =	vlt.s32 v18, $0x400;
	vm14 =	vgt.s32 v18, $0x0;
	v16 =	vmin.u32 v16, $0x3FF  }
0x15c: {  	v19 =	vadd.s32 v58, v19;
	vm4 =	vmand vm0, vm13;
	v18 =	vnsel vm14, $0x0, v18  }
0x15d: {  	vm0 =	vlt.s32 v19, $0x400;
	vm15 =	vgt.s32 v19, $0x0;
	v18 =	vmin.u32 v18, $0x3FF  }
0x15e: {  	[tilespmem:v15+s26+$0x0] =	vst.idx.msk vm3, v12;
	v12 =	vor.u32 s1, v2;
	vm0 =	vmand vm2, vm0;
	v19 =	vnsel vm15, $0x0, v19  }
0x15f: {  	s8 =	simm.s32 $0x10;
	[tilespmem:v15+s28+$0x0] =	vst.idx.msk vm3, v12;
	v12 =	vmin.u32 v19, $0x3FF  }
0x160: {  	[tilespmem:v16+s26+$0x0] =	vst.idx.msk vm1, v13;
	v13 =	vor.u32 s8, v2  }
0x161: {  	s9 =	simm.s32 $0x20;
	[tilespmem:v16+s28+$0x0] =	vst.idx.msk vm1, v13  }
0x162: {  	v13 =	vor.u32 s9, v2;
	[tilespmem:v18+s26+$0x0] =	vst.idx.msk vm4, v14  }
0x163: {  	s31 =	simm.s32 $0x30;
	s10 =	spop (v2sf);
	[tilespmem:v18+s28+$0x0] =	vst.idx.msk vm4, v13  }
0x164: {  	s30 =	simm.s32 $0x40;
	s29 =	sadd.s32 s10, s6;
	v13 =	vor.u32 s31, v2;
	[tilespmem:v12+s26+$0x0] =	vst.idx.msk vm0, v54  }
.LBB2_14:
0x165: {  	p0 =	sne.s32 s30, $0xFC0  }
0x166: {  	[tilespmem:v12+s28+$0x0] =	vst.idx.msk vm0, v13;
	s21 =	sadd.s32 $0x40, s21;
	s31 =	smov.u32 s30;
	s30 =	sadd.s32 $0x40, s30  }
0x167: {  	v12 =	vld [tilespmem:s21+$0xFFFFFFE0]  }
0x168: {  	v13 =	vld [tilespmem:s21+$0xFFFFFFF0];
	_ =	sdelay $0x1  }
0x169: {  	v14 =	vld [tilespmem:s21+$0x0]  }
0x16a: {  	v15 =	vld [tilespmem:s21+$0x10]  }
0x16b: {  	vm3 =	vle.f32 v12, v11  }
0x16c: {  	v16 =	vsel vm3, $0x1, v1  }
0x16d: {  	vm2 =	vle.f32 v13, v11;
	(xrf0) =	vadd.scan.msk.s32 $0xffff, v16  }
0x16e: {  	v16 =	vsel vm2, $0x1, v1;
	vm1 =	vle.f32 v14, v11  }
0x16f: {  	v17 =	vsel vm1, $0x1, v1;
	vm0 =	vle.f32 v15, v11;
	(xrf0) =	vadd.scan.msk.s32 $0xffff, v16  }
0x170: {  	v18 =	vmov s29;
	v16 =	vsel vm0, $0x1, v1;
	(xrf0) =	vadd.scan.msk.s32 $0xffff, v17  }
0x171: {  	v18 =	vadd.s32 $0xFFFFFFFF, v18;
	(xrf0) =	vadd.scan.msk.s32 $0xffff, v16  }
0x172: {  	v16 =	vbroadcast v18, $0x0  }
0x173: {  	v17, _, _ =	vpop (xrf0)  }
0x174: {  	v16 =	vadd.s32 v17, v16;
	(v2sf) =	vpush v17, $0xF  }
0x175: {  	vm4 =	vlt.s32 v16, $0x400;
	vm5 =	vgt.s32 v16, $0x0;
	v17, _, _ =	vpop (xrf0)  }
0x176: {  	vm3 =	vmand vm3, vm4;
	v16 =	vnsel vm5, $0x0, v16;
	v18, _, _ =	vpop (xrf0);
	(v2sf) =	vpush v17, $0xF  }
0x177: {  	v16 =	vmin.u32 v16, $0x3FF;
	v19, _, _ =	vpop (xrf0);
	(v2sf) =	vpush v18, $0xF  }
0x178: {  	(v2sf) =	vpush v19, $0xF;
	_ =	sdelay $0x3  }
0x179: {  	[tilespmem:v16+s26+$0x0] =	vst.idx.msk vm3, v12;
	v12 =	vor.u32 s31, v2  }
0x17a: {  	[tilespmem:v16+s28+$0x0] =	vst.idx.msk vm3, v12;
	_ =	sdelay $0x5  }
0x17b: {  	s1 =	spop (v2sf)  }
0x17c: {  	s1 =	sadd.s32 s29, s1  }
0x17d: {  	v12 =	vmov s1;
	s6 =	spop (v2sf)  }
0x17e: {  	v12 =	vadd.s32 $0xFFFFFFFF, v12;
	s1 =	sadd.s32 s6, s1;
	s6 =	spop (v2sf)  }
0x17f: {  	v12 =	vbroadcast v12, $0x0;
	v16 =	vmov s1;
	s1 =	sadd.s32 s6, s1;
	s6 =	spop (v2sf)  }
0x180: {  	v16 =	vadd.s32 $0xFFFFFFFF, v16;
	v20 =	vmov s1;
	s29 =	sadd.s32 s6, s1  }
0x181: {  	v12 =	vadd.s32 v17, v12;
	v16 =	vbroadcast v16, $0x0;
	v17 =	vadd.s32 $0xFFFFFFFF, v20  }
0x182: {  	vm3 =	vlt.s32 v12, $0x400;
	vm4 =	vgt.s32 v12, $0x0;
	v17 =	vbroadcast v17, $0x0  }
0x183: {  	vm2 =	vmand vm2, vm3;
	v12 =	vnsel vm4, $0x0, v12;
	v16 =	vadd.s32 v18, v16  }
0x184: {  	v18 =	vmin.u32 v12, $0x3FF;
	vm3 =	vlt.s32 v16, $0x400;
	vm4 =	vgt.s32 v16, $0x0  }
0x185: {  	vm1 =	vmand vm1, vm3;
	v12 =	vnsel vm4, $0x0, v16;
	v16 =	vadd.s32 v19, v17  }
0x186: {  	v17 =	vmin.u32 v12, $0x3FF;
	vm3 =	vlt.s32 v16, $0x400;
	vm4 =	vgt.s32 v16, $0x0  }
0x187: {  	vm0 =	vmand vm0, vm3;
	v12 =	vnsel vm4, $0x0, v16  }
0x188: {  	s1 =	sadd.s32 $0x10, s31;
	v12 =	vmin.u32 v12, $0x3FF  }
.Ltmp11:
0x189: {  	[tilespmem:v18+s26+$0x0] =	vst.idx.msk vm2, v13;
	v13 =	vor.u32 s1, v2;
	(pc) =	sbr.rel @p0 .LBB2_14-.Ltmp11, $4  }
0x18a: {  	s1 =	sadd.s32 $0x20, s31;
	[tilespmem:v18+s28+$0x0] =	vst.idx.msk vm2, v13  }
0x18b: {  	v13 =	vor.u32 s1, v2;
	[tilespmem:v17+s26+$0x0] =	vst.idx.msk vm1, v14  }
0x18c: {  	s1 =	sadd.s32 $0x30, s31;
	[tilespmem:v17+s28+$0x0] =	vst.idx.msk vm1, v13  }
0x18d: {  	v13 =	vor.u32 s1, v2;
	[tilespmem:v12+s26+$0x0] =	vst.idx.msk vm0, v15  }
0x18e: {  	p0 =	slt.s32 s29, $0x400  }
0x18f: {  	s29 =	simm.s32 @!p0 $0x400  }
0x190: {  	v9 =	vmin.f32 v10, v9;
	s1 =	sadd.s32 $0xF, s29  }
0x191: {  	(xrf0) =	vmin.scan.msk.f32 $0xffff, v9;
	s1 =	sshra.s32 s1, $0x4  }
0x192: {  	p0 =	slt.s32 s1, $0x1  }
.Ltmp12:
0x193: {  	_ = 	snop;
	(pc) =	sbr.rel @p0 .LBB2_16-.Ltmp12, $2  }
0x194: {  	_ =	sdelay $0x2  }
0x195: {  	[tilespmem:v12+s28+$0x0] =	vst.idx.msk vm0, v13;
	v9, _, _ =	vpop (xrf0)  }
0x196: {  	s6 =	simm.s32 $0xD600  }
0x197: {  	p1 =	sne.s32 s1, $0x1;
	v12 =	vld [tilespmem:s6+$0x0]  }
.Ltmp13:
0x198: {  	_ = 	snop;
	(pc) =	sbr.rel @!p1 .LBB2_19-.Ltmp13, $4  }
0x199: {  	s21 =	simm.s32 $0x0  }
0x19a: {  	v10 =	vmov s29;
	v11 =	vor.u32 s21, v2  }
0x19b: {  	vm0 =	vlt.s32 v11, v10  }
0x19c: {  	s7 =	sadd.s32 $0xFFFFFFFF, s1;
	s29 =	simm.s32 $0xD610;
	v13 =	vimm.f32 $3.000000010e+38;
	s30 =	simm.s32 $0x0;
	v11 =	vimm.f32 $3.000000010e+38;
	v12 =	vnsel vm0, $0x7F61B1E6, v12  }
.LBB2_18:
0x19d: {  	v14 =	vld [tilespmem:s29+$0x0];
	p0 =	sne.s32 s7, $0x1;
	s7 =	sadd.s32 $0xFFFFFFFF, s7;
	v15 =	vmax.f32 v11, v12  }
.Ltmp14:
0x19e: {  	v13 =	vmin.f32 v13, v15;
	(pc) =	sbr.rel @p0 .LBB2_18-.Ltmp14, $4  }
0x19f: {  	s30 =	sadd.s32 $0x10, s30  }
0x1a0: {  	v15 =	vor.u32 s30, v2  }
0x1a1: {  	vm1 =	vlt.s32 v15, v10  }
0x1a2: {  	s29 =	sadd.s32 $0x10, s29;
	v11 =	vmin.f32 v11, v12;
	v12 =	vnsel vm1, $0x7F61B1E6, v14  }
.LBB2_19:
0x1a3: {  	v11 =	vmax.f32 v11, v12  }
0x1a4: {  	v11 =	vmin.f32 v13, v11  }
0x1a5: {  	(xrf0) =	vmax.scan.msk.f32 $0xffff, v11;
	_ =	sdelay $0x2  }
.Ltmp15:
0x1a6: {  	_ = 	snop;
	(pc) =	sbr.rel @!p1 .LBB2_20-.Ltmp15, $3  }
0x1a7: {  	_ =	sdelay $0x1  }
0x1a8: {  	v11, _, _ =	vpop (xrf0)  }
0x1a9: {  	s29 =	simm.s32 $0xDA00;
	v12 =	vld [tilespmem:s6+$0x0];
	s1 =	sadd.s32 $0xFFFFFFFF, s1;
	p0 =	por $0x0, $0x0;
	v13 =	vbroadcast v11, $0xF  }
0x1aa: {  	_ =	sdelay $0x3  }
0x1ab: {  	vm1 =	vle.f32 v12, v13  }
0x1ac: {  	vm0 =	vmand vm0, vm1  }
0x1ad: {  	v14 =	vsel vm0, $0x1, v1  }
0x1ae: {  	(xrf0) =	vadd.scan.msk.s32 $0xffff, v14;
	_ =	sdelay $0x2  }
0x1af: {  	v14 =	vmov s21  }
0x1b0: {  	v14 =	vadd.s32 $0xFFFFFFFF, v14  }
0x1b1: {  	v14 =	vbroadcast v14, $0x0  }
0x1b2: {  	v15, _, _ =	vpop (xrf0)  }
0x1b3: {  	v14 =	vadd.s32 v15, v14;
	(v2sf) =	vpush v15, $0xF  }
0x1b4: {  	vm15 =	vgt.s32 v14, $0x0  }
0x1b5: {  	v14 =	vnsel vm15, $0x0, v14  }
0x1b6: {  	v14 =	vmin.u32 v14, $0x3FF  }
0x1b7: {  	v16 =	vld [tilespmem:s29+$0x0]  }
0x1b8: {  	p1 =	sne.s32 s1, $0x1  }
.Ltmp16:
0x1b9: {  	_ = 	snop;
	(pc) =	sbr.rel @!p1 .LBB2_22-.Ltmp16, $4  }
0x1ba: {  	_ = 	snop  }
0x1bb: {  	[tilespmem:v14+s26+$0x0] =	vst.idx.msk vm0, v12  }
0x1bc: {  	s7 =	simm.s32 $0xD610;
	s31 =	sadd.s32 $0xFFFFFFFF, s1;
	p0 =	por $0x1, $0x1;
	[tilespmem:v14+s28+$0x0] =	vst.idx.msk vm0, v16  }
0x1bd: {  	s30 =	simm.s32 $0x0;
	s6 =	simm.s32 $0x0;
	s1 =	simm.s32 $0xDA00;
	v12 =	vld [tilespmem:s7+$0x0]  }
.LBB2_23:
0x1be: {  	p1 =	sne.s32 s31, $0x1;
	_ =	sdelay $0x1  }
0x1bf: {  	s30 =	sadd.s32 $0x10, s30  }
0x1c0: {  	v14 =	vor.u32 s30, v2  }
0x1c1: {  	vm1 =	vlt.s32 v14, v10;
	vm0 =	vle.f32 v12, v13;
	s8 =	spop (v2sf)  }
0x1c2: {  	vm0 =	vmand vm1, vm0;
	s6 =	sadd.s32 s6, s8  }
0x1c3: {  	v14 =	vsel vm0, $0x1, v1;
	v15 =	vmov s6  }
0x1c4: {  	v15 =	vadd.s32 $0xFFFFFFFF, v15;
	(xrf0) =	vadd.scan.msk.s32 $0xffff, v14  }
0x1c5: {  	v14 =	vbroadcast v15, $0x0;
	_ =	sdelay $0x4  }
0x1c6: {  	v15, _, _ =	vpop (xrf0)  }
0x1c7: {  	v14 =	vadd.s32 v15, v14;
	(v2sf) =	vpush v15, $0xF  }
0x1c8: {  	vm1 =	vgt.s32 v14, $0x0  }
0x1c9: {  	v14 =	vnsel vm1, $0x0, v14  }
0x1ca: {  	s1 =	sadd.s32 $0x10, s1;
	v14 =	vmin.u32 v14, $0x3FF  }
0x1cb: {  	v15 =	vld [tilespmem:s1+$0x0];
	_ =	sdelay $0x1  }
.Ltmp17:
0x1cc: {  	(pc) =	sbr.rel @p1 .LBB2_23-.Ltmp17, $4  }
0x1cd: {  	_ = 	snop  }
0x1ce: {  	[tilespmem:v14+s26+$0x0] =	vst.idx.msk vm0, v12  }
0x1cf: {  	s7 =	sadd.s32 $0x10, s7;
	[tilespmem:v14+s28+$0x0] =	vst.idx.msk vm0, v15  }
0x1d0: {  	s31 =	sadd.s32 $0xFFFFFFFF, s31;
	v12 =	vld [tilespmem:s7+$0x0]  }
.LBB2_24:
0x1d1: {  	_ = 	snop  }
0x1d2: {  	s7 =	sadd.s32 @p0 $0x10, s30;
	s8 =	simm.s32 $0x0  }
0x1d3: {  	s8 =	smov.u32 @p0 s7  }
0x1d4: {  	v14 =	vor.u32 s8, v2  }
0x1d5: {  	vm1 =	vlt.s32 v14, v10;
	vm0 =	vle.f32 v12, v13  }
0x1d6: {  	vm0 =	vmand vm1, vm0  }
0x1d7: {  	v10 =	vsel vm0, $0x1, v1  }
0x1d8: {  	(xrf0) =	vadd.scan.msk.s32 $0xffff, v10;
	_ =	sdelay $0x5  }
0x1d9: {  	v10, _, _ =	vpop (xrf0)  }
0x1da: {  	s7 =	spop @p0 (v2sf);
	(v2sf) =	vpush v10, $0xF  }
0x1db: {  	s6 =	sadd.s32 @p0 s6, s7  }
0x1dc: {  	s21 =	smov.u32 @p0 s6  }
0x1dd: {  	v62 =	vmov s21  }
0x1de: {  	v13 =	vadd.s32 $0xFFFFFFFF, v62  }
0x1df: {  	v13 =	vbroadcast v13, $0x0;
	_ =	sdelay $0x1  }
0x1e0: {  	v10 =	vadd.s32 v10, v13  }
0x1e1: {  	vm15 =	vgt.s32 v10, $0x0  }
0x1e2: {  	s1 =	sadd.s32 @p0 $0x10, s1;
	v10 =	vnsel vm15, $0x0, v10  }
0x1e3: {  	s29 =	smov.u32 @p0 s1;
	v10 =	vmin.u32 v10, $0x3FF  }
0x1e4: {  	v63 =	vld [tilespmem:s29+$0x0]  }
.Ltmp18:
0x1e5: {  	_ = 	snop;
	(pc) =	sbr.rel .LBB2_25-.Ltmp18, $3  }
0x1e6: {  	_ =	sdelay $0x1  }
0x1e7: {  	[tilespmem:v10+s26+$0x0] =	vst.idx.msk vm0, v12;
	s31 =	spop (v2sf)  }
0x1e8: {  	[tilespmem:v10+s28+$0x0] =	vst.idx.msk vm0, v63;
	s21 =	sadd.s32 s21, s31  }
.LBB2_16:
0x1e9: {  	s21 =	simm.s32 $0x0;
	v11 =	vmov v0  }
.LBB2_25:
0x1ea: {  	(v2sf) =	vpush v9, $0xF  }
0x1eb: {  	(v2sf) =	vpush v11, $0xF;
	_ =	sdelay $0xb  }
0x1ec: {  	v9 =	vld [tilespmem:$0xD600]  }
0x1ed: {  	v12 =	vld [tilespmem:$0xD610]  }
0x1ee: {  	v19 =	vld [tilespmem:$0xD670];
	s29 =	spop (v2sf)  }
0x1ef: {  	v13 =	vld [tilespmem:$0xD620];
	v11 =	vmov s21;
	s6 =	spop (v2sf)  }
0x1f0: {  	v10 =	vor.u32 $0x10, v2;
	v15 =	vld [tilespmem:$0xD640];
	v18 =	vor.u32 $0x40, v2;
	vm0 =	vgt.s32 v11, v2;
	s1 =	ssub.s32 s6, s29  }
0x1f1: {  	v14 =	vld [tilespmem:$0xD630];
	vm1 =	vgt.s32 v11, v10;
	vm4 =	vgt.s32 v11, v18;
	v18 =	vor.u32 $0x70, v2;
	s1 =	sshra.s32 s1, $0x1  }
0x1f2: {  	vm7 =	vgt.s32 v11, v18;
	v10 =	vnsel vm0, $0x7F61B1E6, v9;
	v12 =	vnsel vm1, $0x7F61B1E6, v12;
	s30 =	sadd.s32 s29, s1  }
0x1f3: {  	v9 =	vor.u32 $0x20, v2;
	v18 =	vnsel vm7, $0x7F61B1E6, v19;
	v19 =	vmov s30  }
0x1f4: {  	v16 =	vld [tilespmem:$0xD650];
	vm14 =	vgt.s32 v11, v9;
	v9 =	vor.u32 $0x30, v2;
	v19 =	vbroadcast v19, $0x0  }
0x1f5: {  	v15 =	vnsel vm4, $0x7F61B1E6, v15;
	v13 =	vnsel vm14, $0x7F61B1E6, v13;
	vm15 =	vgt.s32 v11, v9  }
0x1f6: {  	v9 =	vor.u32 $0x50, v2;
	v14 =	vnsel vm15, $0x7F61B1E6, v14;
	vm8 =	vle.f32 v10, v19  }
0x1f7: {  	v17 =	vld [tilespmem:$0xD660];
	vm5 =	vgt.s32 v11, v9;
	vm9 =	vle.f32 v13, v19;
	v20 =	vmpcnt.ones.xlane vm8  }
0x1f8: {  	v9 =	vor.u32 $0x60, v2;
	vm10 =	vle.f32 v12, v19;
	v21 =	vmpcnt.ones.xlane vm9  }
0x1f9: {  	v16 =	vnsel vm5, $0x7F61B1E6, v16;
	v22 =	vmpcnt.ones.xlane vm10;
	(v2sf) =	vpush v20, $0x0  }
0x1fa: {  	vm6 =	vgt.s32 v11, v9;
	vm11 =	vle.f32 v14, v19;
	(v2sf) =	vpush v21, $0x0  }
0x1fb: {  	vm12 =	vle.f32 v15, v19;
	v20 =	vmpcnt.ones.xlane vm11;
	(v2sf) =	vpush v22, $0x0  }
0x1fc: {  	v17 =	vnsel vm6, $0x7F61B1E6, v17;
	vm13 =	vle.f32 v16, v19;
	v62 =	vmpcnt.ones.xlane vm12  }
0x1fd: {  	vm14 =	vle.f32 v17, v19;
	v63 =	vmpcnt.ones.xlane vm13;
	(v2sf) =	vpush v20, $0x0  }
0x1fe: {  	vm15 =	vle.f32 v18, v19;
	v20 =	vmpcnt.ones.xlane vm14;
	(v2sf) =	vpush v62, $0x0  }
0x1ff: {  	v19 =	vmpcnt.ones.xlane vm15;
	(v2sf) =	vpush v63, $0x0  }
0x200: {  	(v2sf) =	vpush v20, $0x0  }
0x201: {  	(v2sf) =	vpush v19, $0x0;
	_ =	sdelay $0x6  }
0x202: {  	s9 =	spop (v2sf)  }
0x203: {  	s7 =	spop (v2sf)  }
0x204: {  	s8 =	spop (v2sf)  }
0x205: {  	s1 =	sadd.s32 s9, s8  }
0x206: {  	s10 =	spop (v2sf);
	s1 =	sadd.s32 s7, s1  }
0x207: {  	s9 =	spop (v2sf);
	s1 =	sadd.s32 s10, s1  }
0x208: {  	s10 =	spop (v2sf);
	s1 =	sadd.s32 s9, s1  }
0x209: {  	s9 =	spop (v2sf);
	s1 =	sadd.s32 s10, s1  }
0x20a: {  	s31 =	simm.s32 $0x1E;
	s10 =	spop (v2sf);
	s1 =	sadd.s32 s9, s1  }
0x20b: {  	v9 =	vmov s17;
	p0 =	sle.s32 s6, s29;
	s7 =	sadd.s32 $0x1, s30;
	s8 =	sadd.s32 s10, s1  }
.LBB2_26:
0x20c: {  	s1 =	smov.u32 s29;
	p2 =	sgt.s32 s8, $0x1F  }
0x20d: {  	p1 =	seq.s32 s31, $0x1;
	p3 =	slt.s32 s8, $0x20;
	s7 =	smov.u32 @p2 s29  }
0x20e: {  	s31 =	sadd.s32 $0xFFFFFFFF, s31;
	s30 =	smov.u32 @p3 s6;
	s29 =	smov.u32 s7  }
0x20f: {  	s30 =	smov.u32 @p0 s6;
	s29 =	smov.u32 @p0 s1  }
0x210: {  	s1 =	ssub.s32 s30, s29;
	p0 =	sle.s32 s30, s29  }
0x211: {  	s1 =	sshra.s32 s1, $0x1  }
0x212: {  	s1 =	sadd.s32 s29, s1  }
0x213: {  	v19 =	vmov s1  }
0x214: {  	v19 =	vbroadcast v19, $0x0;
	_ =	sdelay $0x1  }
0x215: {  	vm0 =	vle.f32 v10, v19;
	vm1 =	vle.f32 v12, v19;
	vm2 =	vle.f32 v13, v19  }
0x216: {  	v20 =	vmpcnt.ones.xlane vm0;
	v21 =	vmpcnt.ones.xlane vm1;
	vm0 =	vle.f32 v14, v19  }
0x217: {  	v22 =	vmpcnt.ones.xlane vm2;
	v23 =	vmpcnt.ones.xlane vm0;
	vm0 =	vle.f32 v15, v19  }
0x218: {  	v24 =	vmpcnt.ones.xlane vm0;
	vm0 =	vle.f32 v16, v19;
	(v2sf) =	vpush v20, $0x0  }
0x219: {  	v20 =	vmpcnt.ones.xlane vm0;
	vm0 =	vle.f32 v17, v19;
	(v2sf) =	vpush v22, $0x0  }
0x21a: {  	v22 =	vmpcnt.ones.xlane vm0;
	vm0 =	vle.f32 v18, v19;
	(v2sf) =	vpush v21, $0x0  }
0x21b: {  	v19 =	vmpcnt.ones.xlane vm0;
	(v2sf) =	vpush v23, $0x0  }
0x21c: {  	(v2sf) =	vpush v24, $0x0  }
0x21d: {  	(v2sf) =	vpush v20, $0x0  }
0x21e: {  	(v2sf) =	vpush v22, $0x0  }
0x21f: {  	(v2sf) =	vpush v19, $0x0;
	_ =	sdelay $0x7  }
0x220: {  	s6 =	spop (v2sf)  }
0x221: {  	s7 =	spop (v2sf)  }
0x222: {  	s8 =	spop (v2sf)  }
0x223: {  	s6 =	sadd.s32 s6, s8;
	s8 =	spop (v2sf)  }
0x224: {  	s6 =	sadd.s32 s7, s6;
	s7 =	spop (v2sf)  }
.Ltmp19:
0x225: {  	s6 =	sadd.s32 s8, s6;
	s8 =	spop (v2sf);
	(pc) =	sbr.rel @!p1 .LBB2_26-.Ltmp19, $4  }
0x226: {  	s6 =	sadd.s32 s7, s6;
	s7 =	spop (v2sf)  }
0x227: {  	s6 =	sadd.s32 s8, s6;
	s8 =	spop (v2sf)  }
0x228: {  	s6 =	sadd.s32 s7, s6;
	s7 =	sadd.s32 $0x1, s1  }
0x229: {  	s8 =	sadd.s32 s8, s6;
	s6 =	smov.u32 s30;
	s30 =	smov.u32 s1  }
0x22a: {  	p1 =	sgt.s32 s8, $0x1F;
	s1 =	sadd.s32 $0xF, s21  }
0x22b: {  	s7 =	smov.u32 @p1 s29;
	s1 =	sshra.s32 s1, $0x4  }
0x22c: {  	s7 =	smov.u32 @p0 s29;
	p0 =	slt.s32 s1, $0x1  }
.Ltmp20:
0x22d: {  	_ = 	snop;
	(pc) =	sbr.rel @p0 .LBB2_28-.Ltmp20, $1  }
0x22e: {  	_ =	sdelay $0x3  }
0x22f: {  	s8 =	simm.s32 $0xD600  }
0x230: {  	v12 =	vld [tilespmem:s8+$0x0]  }
0x231: {  	s31 =	simm.s32 $0xDA00  }
0x232: {  	v10 =	vmov s7;
	p4 =	sne.s32 s1, $0x1;
	v13 =	vld [tilespmem:s31+$0x0]  }
.Ltmp21:
0x233: {  	s6 =	simm.s32 $0x0;
	v21 =	vbroadcast v10, $0x0;
	(pc) =	sbr.rel @!p4 .LBB2_30-.Ltmp21, $4  }
0x234: {  	v14 =	vor.u32 s6, v2  }
0x235: {  	vm1 =	vlt.s32 v14, v11;
	vm0 =	vle.f32 v12, v21  }
0x236: {  	s1 =	sadd.s32 $0xFFFFFFFF, s1;
	p0 =	por $0x0, $0x0;
	p1 =	por $0x0, $0x0;
	vm1 =	vmand vm1, vm0  }
0x237: {  	p2 =	por $0x0, $0x0;
	p3 =	por $0x0, $0x0;
	v10 =	vimm.f32 $0.0e+00;
	s6 =	simm.s32 $0xD610;
	v12 =	vnsel vm1, $0x0, v13  }
0x238: {  	v13 =	vld [tilespmem:s6+$0x0]  }
0x239: {  	s30 =	simm.s32 $0xDA10  }
0x23a: {  	p4 =	sne.s32 s1, $0x1;
	v14 =	vld [tilespmem:s30+$0x0]  }
.Ltmp22:
0x23b: {  	s31 =	simm.s32 $0x10;
	(pc) =	sbr.rel @!p4 .LBB2_32-.Ltmp22, $4  }
0x23c: {  	v15 =	vor.u32 s31, v2  }
0x23d: {  	vm0 =	vmmov vm1;
	v16 =	vld.idx.msk [tilespmem:v12+s19+$0x0], $0xffff;
	vm2 =	vlt.s32 v15, v11;
	vm1 =	vle.f32 v13, v21  }
0x23e: {  	v18 =	vld.idx.msk [tilespmem:v12+s18+$0x0], $0xffff;
	vm1 =	vmand vm2, vm1  }
0x23f: {  	s1 =	sadd.s32 $0xFFFFFFFF, s1;
	v17 =	vld.idx.msk [tilespmem:v12+s20+$0x0], $0xffff;
	s6 =	simm.s32 $0xD620;
	p0 =	por $0x1, $0x1;
	v13 =	vnsel vm1, $0x0, v14  }
0x240: {  	v14 =	vld [tilespmem:s6+$0x0]  }
0x241: {  	s30 =	simm.s32 $0xDA20  }
0x242: {  	p4 =	sne.s32 s1, $0x1;
	v19 =	vld [tilespmem:s30+$0x0];
	v15 =	vsub.f32 v16, v8  }
.Ltmp23:
0x243: {  	vm2 =	vmmov vm0;
	vm0 =	vmmov vm1;
	s31 =	simm.s32 $0x20;
	v16 =	vsub.f32 v18, v7;
	(pc) =	sbr.rel @!p4 .LBB2_34-.Ltmp23, $4  }
0x244: {  	v18 =	vor.u32 s31, v2;
	v15 =	vmul.f32 v15, v15;
	v22 =	vsub.f32 v17, v6  }
0x245: {  	vm3 =	vlt.s32 v18, v11;
	v18 =	vld.idx.msk [tilespmem:v13+s18+$0x0], $0xffff;
	v20 =	vmul.f32 v16, v16;
	vm1 =	vle.f32 v14, v21  }
0x246: {  	vm4 =	vmmov vm2;
	v17 =	vld.idx.msk [tilespmem:v13+s20+$0x0], $0xffff;
	vm1 =	vmand vm3, vm1  }
0x247: {  	s1 =	sadd.s32 $0xFFFFFFFF, s1;
	s6 =	simm.s32 $0xD630;
	p1 =	por $0x1, $0x1;
	v16 =	vld.idx.msk [tilespmem:v13+s19+$0x0], $0xffff;
	v29 =	vmul.f32 v22, v22;
	v26 =	vadd.f32 v15, v20;
	v14 =	vnsel vm1, $0x0, v19  }
0x248: {  	v15 =	vld [tilespmem:s6+$0x0]  }
0x249: {  	s30 =	simm.s32 $0xDA30;
	v19 =	vadd.f32 v29, v26  }
0x24a: {  	vm3 =	vmmov vm0;
	vm0 =	vmmov vm1;
	s31 =	simm.s32 $0x30;
	v22 =	vld [tilespmem:s30+$0x0]  }
0x24b: {  	p4 =	sne.s32 s1, $0x1;
	v24 =	vor.u32 s31, v2;
	vm3 =	vmmov vm3;
	v20 =	vmul.f32 $-5.555555690e-04, v19  }
.Ltmp24:
0x24c: {  	v18 =	vsub.f32 v18, v7;
	vm2 =	vlt.s32 v24, v11;
	v16 =	vsub.f32 v16, v8;
	(pc) =	sbr.rel @!p4 .LBB2_36-.Ltmp24, $4  }
0x24d: {  	v63 =	vsub.f32 v17, v6;
	v17 =	vld.idx.msk [tilespmem:v14+s20+$0x0], $0xffff;
	vm1 =	vle.f32 v15, v21;
	v15 =	vmul.f32 $1.442695020e+00, v20  }
0x24e: {  	v25 =	vmul.f32 v18, v18;
	v18 =	vld.idx.msk [tilespmem:v14+s18+$0x0], $0xffff;
	v23 =	vmul.f32 v16, v16;
	vm1 =	vmand vm2, vm1  }
0x24f: {  	v16 =	vld.idx.msk [tilespmem:v14+s19+$0x0], $0xffff;
	vm2 =	vle.f32 v19, $8.100000000e+03;
	v19 =	vnsel vm1, $0x0, v22;
	(erf) = vpow2.f32 v15  }
0x250: {  	s1 =	sadd.s32 $0xFFFFFFFF, s1;
	s6 =	simm.s32 $0xD640;
	p2 =	por $0x1, $0x1;
	vm2 =	vmand vm4, vm2;
	v22 =	vld.idx.msk [tilespmem:v12+s25+$0x0], $0xffff;
	v20 =	vadd.f32 v23, v25;
	v23 =	vmul.f32 v63, v63  }
0x251: {  	_ = 	snop  }
0x252: {  	v15 =	vld [tilespmem:s6+$0x0]  }
0x253: {  	s21 =	simm.s32 $0xDA40;
	vm4 =	vmmov vm0;
	vm0 =	vmmov vm1  }
0x254: {  	v32 =	vimm.f32 $0.0e+00;
	v24 =	vadd.f32 v23, v20;
	v28 =	vld [tilespmem:s21+$0x0];
	v16 =	vsub.f32 v16, v8  }
0x255: {  	s29 =	simm.s32 $0x40;
	v33 =	vimm.f32 $0.0e+00;
	v34 =	vimm.f32 $0.0e+00;
	v18 =	vsub.f32 v18, v7  }
0x256: {  	v25 =	vld.idx.msk [tilespmem:v12+s23+$0x0], $0xffff;
	p4 =	sne.s32 s1, $0x1;
	v26 =	vmul.f32 $-5.555555690e-04, v24;
	v29 =	vmul.f32 v16, v16;
	v16 =	vor.u32 s29, v2  }
.Ltmp25:
0x257: {  	v27 =	vld.idx.msk [tilespmem:v12+s24+$0x0], $0xffff;
	v18 =	vmul.f32 v18, v18;
	vm1 =	vle.f32 v15, v21;
	vm5 =	vlt.s32 v16, v11;
	(pc) =	sbr.rel @!p4 .LBB2_38-.Ltmp25, $4  }
0x258: {  	v17 =	vsub.f32 v17, v6;
	v30 =	vmul.f32 $1.442695020e+00, v26;
	v16 =	vld.idx.msk [tilespmem:v19+s19+$0x0], $0xffff;
	vm1 =	vmand vm5, vm1  }
0x259: {  	v31 =	vmovc v14;
	vm4 =	vmmov vm4;
	v26 =	vadd.f32 v29, v18;
	v18 =	vld.idx.msk [tilespmem:v19+s18+$0x0], $0xffff;
	v15 =	vnsel vm1, $0x0, v28;
	v28 =	vmovc v13  }
0x25a: {  	vm5 =	vle.f32 v24, $8.100000000e+03;
	v29 =	vmul.f32 v17, v17;
	(erf) = vpow2.f32 v30;
	v24 =	vpop (erf);
	v17 =	vld.idx.msk [tilespmem:v19+s20+$0x0], $0xffff  }
0x25b: {  	s1 =	sadd.s32 $0xFFFFFFFF, s1;
	s6 =	simm.s32 $0xD650;
	p3 =	por $0x1, $0x1;
	v37 =	vmovc v19;
	v36 =	vmovc v22;
	v30 =	vld.idx.msk [tilespmem:v13+s25+$0x0], $0xffff;
	vm5 =	vmand vm3, vm5;
	v35 =	vnsel vm2, $0x0, v24;
	v24 =	vimm.f32 $0.0e+00  }
.LBB2_39:
0x25c: {  	v38 =	vmovc v37;
	v37 =	vmov v15;
	v29 =	vadd.f32 v29, v26;
	v26 =	vmul.f32 v35, v25  }
0x25d: {  	p4 =	sne.s32 s1, $0x1;
	s1 =	sadd.s32 $0xFFFFFFFF, s1;
	v27 =	vmul.f32 v35, v27;
	vm6 =	vmmov vm0;
	vm0 =	vmmov vm1;
	v15 =	vld [tilespmem:s6+$0x0]  }
0x25e: {  	s21 =	sadd.s32 $0x10, s21;
	v16 =	vsub.f32 v16, v8;
	v24 =	vadd.f32 v35, v24;
	v35 =	vmul.f32 v35, v36;
	v25 =	vld.idx.msk [tilespmem:v28+s23+$0x0], $0xffff  }
0x25f: {  	v18 =	vsub.f32 v18, v7;
	v36 =	vmul.f32 $-5.555555690e-04, v29;
	v32 =	vadd.f32 v27, v32;
	v39 =	vld [tilespmem:s21+$0x0]  }
0x260: {  	s29 =	sadd.s32 $0x10, s29;
	v40 =	vsub.f32 v17, v6;
	v41 =	vmul.f32 v16, v16;
	v33 =	vadd.f32 v26, v33;
	v27 =	vld.idx.msk [tilespmem:v28+s24+$0x0], $0xffff  }
.Ltmp26:
0x261: {  	v17 =	vor.u32 s29, v2;
	v34 =	vadd.f32 v35, v34;
	v26 =	vmul.f32 v18, v18;
	v28 =	vmovc v14;
	v16 =	vld.idx.msk [tilespmem:v37+s19+$0x0], $0xffff;
	(pc) =	sbr.rel @p4 .LBB2_39-.Ltmp26, $4  }
0x262: {  	vm7 =	vlt.s32 v17, v11;
	v42 =	vmul.f32 $1.442695020e+00, v36;
	v14 =	vmovc v19;
	vm1 =	vle.f32 v15, v21;
	v18 =	vld.idx.msk [tilespmem:v37+s18+$0x0], $0xffff  }
0x263: {  	v19 =	vmovc v37;
	v26 =	vadd.f32 v41, v26;
	v36 =	vmovc v30;
	vm1 =	vmand vm7, vm1;
	v17 =	vld.idx.msk [tilespmem:v37+s20+$0x0], $0xffff;
	vm7 =	vle.f32 v29, $8.100000000e+03  }
0x264: {  	v29 =	vmul.f32 v40, v40;
	v15 =	vnsel vm1, $0x0, v39;
	(erf) = vpow2.f32 v42;
	v35 =	vpop (erf)  }
0x265: {  	s6 =	sadd.s32 $0x10, s6;
	v30 =	vld.idx.msk [tilespmem:v31+s25+$0x0], $0xffff;
	v35 =	vnsel vm5, $0x0, v35;
	vm5 =	vmand vm4, vm7;
	v31 =	vmovc v38;
	vm4 =	vmmov vm6  }
0x266: {  	v11 =	vmov v14;
	v14 =	vmov v37  }
.LBB2_41:
0x267: {  	_ = 	snop  }
0x268: {  	v21 =	vadd.f32 @p1 v29, v26;
	v25 =	vmul.f32 @p3 v35, v25  }
0x269: {  	v26 =	vmul.f32 @p3 v35, v27;
	vm6 =	vmmov @p0 vm0;
	v16 =	vsub.f32 @p0 v16, v8  }
0x26a: {  	vm14 =	vmmov vm1;
	v24 =	vadd.f32 @p3 v35, v24;
	v18 =	vsub.f32 @p0 v18, v7  }
0x26b: {  	v27 =	vld.idx.msk @p2 [tilespmem:v28+s23+$0x0], $0xffff;
	v29 =	vmul.f32 @p3 v35, v36;
	v11 =	vpsel p1, v11, v12;
	v19 =	vpsel p0, v19, v13  }
0x26c: {  	v54 =	vld.idx.msk [tilespmem:v15+s19+$0x0], $0xffff;
	v13 =	vpsel p0, v14, v13;
	v17 =	vsub.f32 @p0 v17, v6;
	vm0 =	vmmov vm14  }
0x26d: {  	v55 =	vld.idx.msk [tilespmem:v15+s18+$0x0], $0xffff;
	v35 =	vmul.f32 @p1 $-5.555555690e-04, v21;
	v26 =	vadd.f32 @p3 v26, v32;
	v16 =	vmul.f32 @p0 v16, v16  }
0x26e: {  	v28 =	vld.idx.msk @p2 [tilespmem:v28+s24+$0x0], $0xffff;
	v18 =	vmul.f32 @p0 v18, v18;
	v25 =	vadd.f32 @p3 v25, v33;
	v29 =	vadd.f32 @p3 v29, v34  }
0x26f: {  	v56 =	vld.idx.msk [tilespmem:v15+s20+$0x0], $0xffff;
	vm1 =	vle.f32 @p1 v21, $8.100000000e+03;
	v12 =	vpsel p3, v24, v10;
	v17 =	vmul.f32 @p0 v17, v17  }
0x270: {  	vm0 =	vmmov vm0;
	vm1 =	vmand @p1 vm4, vm1;
	v16 =	vadd.f32 @p0 v16, v18  }
0x271: {  	vm4 =	vmmov @p0 vm6;
	v33 =	vmul.f32 @p1 $1.442695020e+00, v35;
	v17 =	vpsel p0, v17, v23  }
0x272: {  	v8 =	vsub.f32 v54, v8;
	v7 =	vsub.f32 v55, v7;
	v16 =	vpsel p0, v16, v20  }
0x273: {  	v23 =	vpsel p2, v27, v0;
	v27 =	vpsel p2, v28, v0;
	v16 =	vadd.f32 @p0 v17, v16  }
0x274: {  	v6 =	vsub.f32 v56, v6;
	v18 =	vpop @p2 (erf);
	v8 =	vmul.f32 v8, v8;
	v7 =	vmul.f32 v7, v7  }
0x275: {  	v31 =	vld.idx.msk @p1 [tilespmem:v31+s25+$0x0], $0xffff;
	(erf) = vpow2.f32 @p1 v33;
	v18 =	vnsel @p2 vm5, $0x0, v18;
	v14 =	vmul.f32 @p0 $-5.555555690e-04, v16  }
0x276: {  	v21 =	vld.idx.msk @p1 [tilespmem:v11+s23+$0x0], $0xffff;
	v6 =	vmul.f32 v6, v6;
	v18 =	vpsel p2, v18, v0;
	v7 =	vadd.f32 v8, v7  }
0x277: {  	v24 =	vpsel p3, v26, v10;
	v11 =	vld.idx.msk @p1 [tilespmem:v11+s24+$0x0], $0xffff;
	v8 =	vmul.f32 @p2 v18, v27;
	v14 =	vmul.f32 @p0 $1.442695020e+00, v14  }
0x278: {  	v25 =	vpsel p3, v25, v10;
	v26 =	vpsel p3, v29, v10;
	v13 =	vld.idx.msk @p0 [tilespmem:v13+s25+$0x0], $0xffff;
	v6 =	vadd.f32 v6, v7  }
0x279: {  	v7 =	vadd.f32 @p2 v8, v24;
	v8 =	vpsel p0, v19, v0;
	(erf) = vpow2.f32 @p0 v14  }
0x27a: {  	vm3 =	vmmov @p0 vm4;
	vm2 =	vmmov @p1 vm1;
	v22 =	vpsel p1, v31, v22;
	v20 =	vmovc @p2 v30  }
0x27b: {  	v20 =	vpsel p2, v20, v0;
	v17 =	vmul.f32 @p2 v18, v23;
	v12 =	vadd.f32 @p2 v18, v12  }
0x27c: {  	v18 =	vmul.f32 @p2 v18, v20;
	vm1 =	vle.f32 @p0 v16, $8.100000000e+03;
	v57 =	vmul.f32 $-5.555555690e-04, v6  }
0x27d: {  	vm1 =	vmand @p0 vm3, vm1;
	v11 =	vpsel p1, v11, v0;
	v13 =	vpsel p0, v13, v0  }
0x27e: {  	v20 =	vmovc @p1 v22;
	v19 =	vpsel p1, v21, v0;
	v14 =	vadd.f32 @p2 v17, v25;
	v17 =	vmul.f32 $1.442695020e+00, v57;
	v21 =	vld.idx.msk @p0 [tilespmem:v8+s23+$0x0], $0xffff  }
0x27f: {  	v18 =	vadd.f32 @p2 v18, v26;
	v12 =	vpsel p2, v12, v10;
	v20 =	vpsel p1, v20, v0;
	v8 =	vld.idx.msk @p0 [tilespmem:v8+s24+$0x0], $0xffff  }
0x280: {  	vm1 =	vmmov @p0 vm1;
	v13 =	vpsel p0, v13, v0;
	v16 =	vpop @p1 (erf);
	(erf) = vpow2.f32 v17  }
0x281: {  	v7 =	vpsel p2, v7, v10;
	vm15 =	vle.f32 v6, $8.100000000e+03;
	v16 =	vnsel @p1 vm2, $0x0, v16  }
0x282: {  	v14 =	vpsel p2, v14, v10;
	v16 =	vpsel p1, v16, v0;
	v17 =	vpsel p2, v18, v10;
	v6 =	vpop @p0 (erf)  }
0x283: {  	v11 =	vmul.f32 @p1 v16, v11;
	v18 =	vmul.f32 @p1 v16, v19;
	v6 =	vnsel @p0 vm1, $0x0, v6  }
0x284: {  	v19 =	vmul.f32 @p1 v16, v20;
	v8 =	vpsel p0, v8, v0;
	v6 =	vpsel p0, v6, v0  }
0x285: {  	v58 =	vld.idx.msk [tilespmem:v15+s25+$0x0], $0xffff;
	v12 =	vadd.f32 @p1 v16, v12;
	v7 =	vadd.f32 @p1 v11, v7;
	v8 =	vmul.f32 @p0 v6, v8  }
0x286: {  	v59 =	vld.idx.msk [tilespmem:v15+s24+$0x0], $0xffff;
	vm0 =	vmand vm0, vm15;
	v11 =	vadd.f32 @p1 v18, v14;
	v14 =	vadd.f32 @p1 v19, v17  }
0x287: {  	v60 =	vld.idx.msk [tilespmem:v15+s23+$0x0], $0xffff;
	v12 =	vpsel p1, v12, v10;
	v17 =	vpsel p0, v21, v0;
	v7 =	vpsel p1, v7, v10  }
0x288: {  	v11 =	vpsel p1, v11, v10;
	v17 =	vmul.f32 @p0 v6, v17;
	v13 =	vmul.f32 @p0 v6, v13  }
0x289: {  	v14 =	vpsel p1, v14, v10;
	v6 =	vadd.f32 @p0 v6, v12;
	v7 =	vadd.f32 @p0 v8, v7;
	v8 =	vpop (erf)  }
.Ltmp27:
0x28a: {  	v11 =	vadd.f32 @p0 v17, v11;
	v12 =	vadd.f32 @p0 v13, v14;
	v8 =	vnsel vm0, $0x0, v8;
	(pc) =	sbr.rel .LBB2_42-.Ltmp27, $4  }
0x28b: {  	v6 =	vpsel p0, v6, v10;
	v7 =	vpsel p0, v7, v10;
	v61 =	vmul.f32 v8, v59  }
0x28c: {  	v11 =	vpsel p0, v11, v10;
	v62 =	vmul.f32 v8, v60;
	v63 =	vmul.f32 v8, v58  }
0x28d: {  	v12 =	vpsel p0, v12, v10;
	v10 =	vadd.f32 v8, v6;
	v6 =	vadd.f32 v61, v7  }
0x28e: {  	v7 =	vadd.f32 v62, v11;
	v8 =	vadd.f32 v63, v12  }
.LBB2_20:
.Ltmp28:
0x28f: {  	(pc) =	sbr.rel .LBB2_24-.Ltmp28, $2  }
0x290: {  	_ =	sdelay $0x2  }
0x291: {  	s30 =	simm.s32 $0x0;
	s6 =	simm.s32 $0x0;
	s1 =	simm.s32 $0xDA00  }
.LBB2_30:
.Ltmp29:
0x292: {  	(pc) =	sbr.rel .LBB2_41-.Ltmp29, $3  }
0x293: {  	_ =	sdelay $0x1  }
0x294: {  	v24 =	vimm.f32 $0.0e+00  }
0x295: {  	v15 =	vmovc v12;
	v32 =	vimm.f32 $0.0e+00;
	v33 =	vimm.f32 $0.0e+00;
	v34 =	vimm.f32 $0.0e+00  }
.LBB2_22:
.Ltmp30:
0x296: {  	(pc) =	sbr.rel .LBB2_24-.Ltmp30, $2  }
0x297: {  	_ =	sdelay $0x2  }
0x298: {  	s30 =	simm.s32 $0x0;
	s6 =	simm.s32 $0x0;
	s1 =	simm.s32 $0xDA00  }
.LBB2_32:
.Ltmp31:
0x299: {  	(pc) =	sbr.rel .LBB2_41-.Ltmp31, $3  }
0x29a: {  	_ =	sdelay $0x1  }
0x29b: {  	v24 =	vimm.f32 $0.0e+00;
	v15 =	vmov v13  }
0x29c: {  	v19 =	vmovc v12;
	v14 =	vmovc v12;
	v32 =	vimm.f32 $0.0e+00;
	v33 =	vimm.f32 $0.0e+00;
	v34 =	vimm.f32 $0.0e+00  }
.LBB2_34:
.Ltmp32:
0x29d: {  	(pc) =	sbr.rel .LBB2_41-.Ltmp32, $3  }
0x29e: {  	_ =	sdelay $0x1  }
0x29f: {  	v15 =	vmovc v14;
	v24 =	vimm.f32 $0.0e+00;
	v11 =	vmov v12;
	v19 =	vmov v13  }
0x2a0: {  	v31 =	vmovc v12;
	v14 =	vmovc v13;
	v32 =	vimm.f32 $0.0e+00;
	v33 =	vimm.f32 $0.0e+00;
	v34 =	vimm.f32 $0.0e+00  }
.LBB2_36:
.Ltmp33:
0x2a1: {  	_ = 	snop;
	(pc) =	sbr.rel .LBB2_41-.Ltmp33, $4  }
0x2a2: {  	_ = 	snop  }
0x2a3: {  	v24 =	vimm.f32 $0.0e+00;
	v15 =	vmovc v19;
	v28 =	vmov v12;
	v32 =	vimm.f32 $0.0e+00  }
0x2a4: {  	v33 =	vimm.f32 $0.0e+00;
	v34 =	vimm.f32 $0.0e+00;
	v11 =	vmovc v13;
	v19 =	vmovc v14;
	vm4 =	vmmov vm3  }
0x2a5: {  	v31 =	vmovc v13;
	vm5 =	vmmov vm2;
	v26 =	vmovc v20;
	v29 =	vmov v23;
	v30 =	vmov v22  }
.LBB2_38:
.Ltmp34:
0x2a6: {  	(pc) =	sbr.rel .LBB2_41-.Ltmp34, $3  }
0x2a7: {  	_ =	sdelay $0x1  }
0x2a8: {  	v24 =	vimm.f32 $0.0e+00;
	v11 =	vmovc v14;
	v31 =	vmov v14;
	v28 =	vmov v13  }
0x2a9: {  	v36 =	vmovc v22;
	v32 =	vimm.f32 $0.0e+00;
	v33 =	vimm.f32 $0.0e+00;
	v34 =	vimm.f32 $0.0e+00;
	v14 =	vmovc v19  }
.LBB2_45:
0x2aa: {  	_ =	sfence.sel $0x180000  }
0x2ab: {  	[bflag:$0x0] =	sbarrier.arrive $0xFFFF  }
0x2ac: {  	_ =	strace $0x90000047  }
0x2ad: {  	s0 =	stileid.u32;
	[bflag:$0x2] =	sbarrier.arrive $0xFFFF  }
0x2ae: {  	p0 =	sne.s32 s0, $0x0;
	s0 =	rddreg [dreg:$0x5]  }
0x2af: {  	s0 =	sadd.s32 @!p0 $0x100000, s0  }
0x2b0: {  	[sflag:s0] =	ssyncadd.tile.s32 @!p0 $0x1;
	_ =	shalt  }
.Lfunc_end2:
_tile_overlayer_lowered:
.L_overlay_start_2:
0x2b1: {  	(tag) =	ssettag $0x2  }
0x2b2: {  	s0 =	rddreg [dreg:$0x0];
	s2 =	stileid.u32  }
0x2b3: {  	s1 =	rddreg [dreg:$0x1];
	p0 =	sne.s32 s2, $0x0  }
0x2b4: {  	s3 =	rddreg [dreg:$0x2];
	[bflag:$0x3] =	sbarrier.arrive $0xFFFF;
	s2 =	simm.s32 @!p0 $0x1C01  }
0x2b5: {  	[timem:s3], [sflag:s2] =	dma.local @!p0 [hbm:s0], s1  }
0x2b6: {  	s0 =	simm.s32 @!p0 $0x1  }
0x2b7: {  	_ =	swait.ge @!p0 [sflag:s0], s1  }
0x2b8: {  	s1 =	ssub.s32 @!p0 $0x0, s1;
	[sflag:s0] =	ssyncset.done @!p0 $0x0  }
0x2b9: {  	[sflag:s0] =	ssyncadd.s32 @!p0 s1  }
0x2ba: {  	[bflag:$0x3] =	sbarrier.arrive $0xFFFF  }
0x2bb: {  	_ =	shalt  }

</sc_bundles>
